<compile_context>
chip_gen: v7x
topology: tpu7x:2x2x1
jax: 0.10.2.dev20260603
libtpu: 0.0.44.dev20260713+nightly
codegen_flags: <defaults>
</compile_context>

<pallas_src>
import jax
import jax.numpy as jnp
import numpy as np
from jax import lax
from jax.experimental import pallas as pl
from jax.experimental.pallas import tpu as pltpu
from jax.experimental.pallas import tpu_sc as plsc

BATCH = 4
MODEL_DIM = 1024
MAX_LEN = 2048

NC = 2
NS = 16
LANES = 16
NW = NC * NS

B_TOTAL = BATCH * MAX_LEN
T_PER_W = MAX_LEN // NW
CHUNK = 16
QR = 8
QPC = CHUNK // QR
N_TC = T_PER_W // CHUNK
N_CHUNKS = N_TC * BATCH
NB = 5
GLEAD = 3
NQ = MAX_LEN // QR
NQL = 4
NQH = NQ // NQL

_VR = MODEL_DIM // LANES

_OFF_AH1 = 0
_OFF_AH2 = NQH * MODEL_DIM
_OFF_ALB = 2 * NQH * MODEL_DIM
_ALB_LEN = (2 * NQL + 2 * QR) * MODEL_DIM
_AL2_OFF = NQL * MODEL_DIM
_B1_OFF = 2 * NQL * MODEL_DIM
_B2_OFF = 2 * NQL * MODEL_DIM + QR * MODEL_DIM


def _aux_tables_np():
    i = np.arange(MODEL_DIM, dtype=np.float64)
    w = 1.0 / (10000.0 ** (2.0 * i / MODEL_DIM))
    even = (np.arange(MODEL_DIM) % 2) == 0
    thh = QR * NQL * np.arange(NQH, dtype=np.float64).reshape(-1, 1) * w
    ah1 = np.where(even, np.sin(thh), np.cos(thh)).astype(np.float32)
    ah2 = np.where(even, np.cos(thh), -np.sin(thh)).astype(np.float32)
    thl = QR * np.arange(NQL, dtype=np.float64).reshape(-1, 1) * w
    al1 = np.cos(thl).astype(np.float32)
    al2 = np.sin(thl).astype(np.float32)
    rw = np.arange(QR, dtype=np.float64).reshape(-1, 1) * w
    b1 = np.cos(rw).astype(np.float32)
    b2 = np.sin(rw).astype(np.float32)
    return np.concatenate(
        [x.reshape(-1) for x in (ah1, ah2, al1, al2, b1, b2)]
    )


_AUX = _aux_tables_np()


def _sc_body(
    table_hbm, idx_hbm, aux_hbm, out_hbm,
    idx_v, rows_all, posrec, b_v, a_all, gsem, psem, asem, bsem, isem,
):
    wid = lax.axis_index("s") * NC + lax.axis_index("c")
    t0 = wid * T_PER_W

    bd = pltpu.async_copy(
        aux_hbm.at[pl.ds(_OFF_ALB, _ALB_LEN)], b_v, bsem
    )

    def issue_a(tc):
        qh = (wid * N_TC + tc) * QPC // NQL
        buf = lax.rem(tc, 2)
        pltpu.async_copy(
            aux_hbm.at[pl.ds(_OFF_AH1 + qh * MODEL_DIM, MODEL_DIM)],
            a_all.at[buf].at[pl.ds(0, MODEL_DIM)],
            asem.at[buf],
        )
        pltpu.async_copy(
            aux_hbm.at[pl.ds(_OFF_AH2 + qh * MODEL_DIM, MODEL_DIM)],
            a_all.at[buf].at[pl.ds(MODEL_DIM, MODEL_DIM)],
            asem.at[buf],
        )

    issue_a(0)
    issue_a(1)

    idx_descs = [
        pltpu.async_copy(
            idx_hbm.at[b, pl.ds(t0, T_PER_W)],
            idx_v.at[pl.ds(b * T_PER_W, T_PER_W)],
            isem,
        )
        for b in range(BATCH)
    ]
    for d in idx_descs:
        d.wait()

    def issue_gather(n):
        tc = n // BATCH
        b = lax.rem(n, BATCH)
        jn = lax.rem(n, NB)
        pltpu.async_copy(
            table_hbm.at[idx_v.at[pl.ds(b * T_PER_W + tc * CHUNK, CHUNK)]],
            rows_all.at[jn],
            gsem.at[jn],
        )

    def wait_dma(sem, vmem_ref):
        pltpu.make_async_copy(
            table_hbm.at[pl.ds(0, CHUNK)], vmem_ref, sem
        ).wait()

    for n in range(GLEAD):
        issue_gather(n)

    def chunk_body(c, _):
        j = lax.rem(c, NB)
        tc = c // BATCH
        b = lax.rem(c, BATCH)

        n = c + GLEAD
        jn = lax.rem(n, NB)

        @pl.when(n < N_CHUNKS)
        def _():
            @pl.when(n >= NB)
            def _():
                wait_dma(psem.at[jn], rows_all.at[jn])

            issue_gather(n)

        @pl.when(b == 0)
        def _():
            buf = lax.rem(tc, 2)
            a_tc = a_all.at[buf]
            pltpu.make_async_copy(
                aux_hbm.at[pl.ds(0, 2 * MODEL_DIM)], a_tc, asem.at[buf]
            ).wait()
            q0 = (wid * N_TC + tc) * QPC
            ql0 = lax.rem(q0, NQL)

            @plsc.parallel_loop(0, _VR, unroll=1)
            def gen_body(jc):
                off = pl.multiple_of(jc << 4, LANES)
                ah1 = a_tc[pl.ds(off, LANES)]
                ah2 = a_tc[pl.ds(MODEL_DIM + off, LANES)]
                al1q0 = b_v[pl.ds(ql0 * MODEL_DIM + off, LANES)]
                al2q0 = b_v[pl.ds(_AL2_OFF + ql0 * MODEL_DIM + off, LANES)]
                al1q1 = b_v[pl.ds((ql0 + 1) * MODEL_DIM + off, LANES)]
                al2q1 = b_v[pl.ds(_AL2_OFF + (ql0 + 1) * MODEL_DIM + off, LANES)]
                a1q0 = ah1 * al1q0 + ah2 * al2q0
                a2q0 = ah2 * al1q0 - ah1 * al2q0
                a1q1 = ah1 * al1q1 + ah2 * al2q1
                a2q1 = ah2 * al1q1 - ah1 * al2q1
                for r in range(QR):
                    b1r = b_v[pl.ds(_B1_OFF + r * MODEL_DIM + off, LANES)]
                    b2r = b_v[pl.ds(_B2_OFF + r * MODEL_DIM + off, LANES)]
                    posrec[r, pl.ds(off, LANES)] = a1q0 * b1r + a2q0 * b2r
                    posrec[QR + r, pl.ds(off, LANES)] = a1q1 * b1r + a2q1 * b2r

            @pl.when(tc < N_TC - 2)
            def _():
                issue_a(tc + 2)

        wait_dma(gsem.at[j], rows_all.at[j])
        rows_j = rows_all.at[j]

        @plsc.parallel_loop(0, CHUNK * _VR, unroll=8)
        def add_body(i):
            r = i >> 6
            off = pl.multiple_of((i & (_VR - 1)) << 4, LANES)
            rows_j[r, pl.ds(off, LANES)] = (
                rows_j[r, pl.ds(off, LANES)] + posrec[r, pl.ds(off, LANES)]
            )

        pltpu.async_copy(
            rows_j,
            out_hbm.at[pl.ds(b * MAX_LEN + t0 + tc * CHUNK, CHUNK)],
            psem.at[j],
        )
        return 0

    bd.wait()
    lax.fori_loop(0, N_CHUNKS, chunk_body, 0)

    for c in range(N_CHUNKS - NB, N_CHUNKS):
        wait_dma(psem.at[c % NB], rows_all.at[c % NB])


@jax.jit
def _embed(idx, table, aux):
    mesh = plsc.VectorSubcoreMesh(
        core_axis_name="c", subcore_axis_name="s", num_cores=NC, num_subcores=NS
    )
    scratch = [
        pltpu.VMEM((BATCH * T_PER_W,), jnp.int32),
        pltpu.VMEM((NB, CHUNK, MODEL_DIM), jnp.float32),
        pltpu.VMEM((CHUNK, MODEL_DIM), jnp.float32),
        pltpu.VMEM((_ALB_LEN,), jnp.float32),
        pltpu.VMEM((2, 2 * MODEL_DIM), jnp.float32),
        pltpu.SemaphoreType.DMA((NB,)),
        pltpu.SemaphoreType.DMA((NB,)),
        pltpu.SemaphoreType.DMA((2,)),
        pltpu.SemaphoreType.DMA,
        pltpu.SemaphoreType.DMA,
    ]
    fn = pl.kernel(
        _sc_body,
        out_type=jax.ShapeDtypeStruct((B_TOTAL, MODEL_DIM), jnp.float32),
        mesh=mesh,
        scratch_types=scratch,
    )
    return fn(table, idx, aux)


def kernel(x, table):
    idx = x.astype(jnp.int32)
    out = _embed(idx, table, jnp.asarray(_AUX))
    return out.reshape(BATCH, MAX_LEN, MODEL_DIM)

# --- scband reference (transcript-rebuilt; emitter-appended) ---
"""Pipeline reference for scband-embedding-8624294330374 (READ-ONLY COPY).

The authoritative reference and input builder live on the scoring server;
editing this copy changes nothing except your own understanding.
"""

import jax, jax.numpy as jnp
import numpy as np

BATCH = 4
MODEL_DIM = 1024
MAX_LEN = 2048
N_EMB = 100000


def _pos_encoding(batch, d, L):
    # Faithful to PositionalEncoding.SinPos:
    #   i even -> sin(pos / 10000**(2*i/d))
    #   i odd  -> cos(pos / 10000**(2*i/d))
    i = np.arange(d, dtype=np.float64)
    pos = np.arange(L, dtype=np.float64).reshape(-1, 1)
    angle = pos / (10000.0 ** (2.0 * i / d))
    mat = np.where((np.arange(d) % 2) == 0, np.sin(angle), np.cos(angle)).astype(np.float32)
    return jnp.broadcast_to(jnp.asarray(mat), (batch, L, d))


def setup_inputs(seed: int = 0) -> dict:
    key = jax.random.key(seed)
    k1, k2 = jax.random.split(key)
    x = jax.random.randint(k1, (BATCH, MAX_LEN), 0, N_EMB)
    table = jax.random.normal(k2, (N_EMB, MODEL_DIM), dtype=jnp.float32) * 0.02
    return {"x": x, "table": table}


def reference(x, table):
    # nn.Embedding lookup + constant positional encoding matrix
    emb = jnp.take(table, x, axis=0)
    pos = _pos_encoding(BATCH, MODEL_DIM, MAX_LEN)
    return emb + pos

if __name__ == "__main__":
    import jax
    _d = setup_inputs()
    print(jax.jit(kernel)(*tuple(_d.values())))

</pallas_src>

<mosaic_0001>
#map = affine_map<(d0, d1) -> (0, 0)>
#map1 = affine_map<(d0, d1) -> (0)>
module attributes {stable_mosaic.version = 14 : i64} {
  func.func @_sc_body(%arg0: i32, %arg1: i32, %arg2: memref<100000x1024xf32, #tpu.memory_space<hbm>>, %arg3: memref<4x2048xi32, #tpu.memory_space<hbm>>, %arg4: memref<155648xf32, #tpu.memory_space<hbm>>, %arg5: memref<8192x1024xf32, #tpu.memory_space<hbm>>, %arg6: memref<256xi32, #tpu.memory_space<vmem>>, %arg7: memref<5x16x1024xf32, #tpu.memory_space<vmem>>, %arg8: memref<16x1024xf32, #tpu.memory_space<vmem>>, %arg9: memref<24576xf32, #tpu.memory_space<vmem>>, %arg10: memref<2x2048xf32, #tpu.memory_space<vmem>>, %arg11: memref<5x!tpu.dma_semaphore, #tpu.memory_space<semaphore_mem>>, %arg12: memref<5x!tpu.dma_semaphore, #tpu.memory_space<semaphore_mem>>, %arg13: memref<2x!tpu.dma_semaphore, #tpu.memory_space<semaphore_mem>>, %arg14: memref<!tpu.dma_semaphore, #tpu.memory_space<semaphore_mem>>, %arg15: memref<!tpu.dma_semaphore, #tpu.memory_space<semaphore_mem>>) attributes {dimension_semantics = [#tpu.dimension_semantics<core_parallel>, #tpu.dimension_semantics<subcore_parallel>], iteration_bounds = array<i64: 2, 16>, scalar_prefetch = 0 : i64, scratch_operands = 10 : i64, tpu.core_type = #tpu.core_type<sc_vector_subcore>, window_params = [{transform_indices = #map}, {transform_indices = #map}, {transform_indices = #map1}, {transform_indices = #map}]} {
    %mul3A = arith.constant 2 : i32
    %mul3A_0 = arith.muli %arg1, %mul3A : i32
    %add3A = arith.addi %mul3A_0, %arg0 : i32
    %mul3A_1 = arith.constant 64 : i32
    %mul3A_2 = arith.muli %add3A, %mul3A_1 : i32
    %dma_start3A = arith.constant 131072 : i32
    %dma_start3A_3 = tpu.memref_slice %arg4[%dma_start3A] : memref<155648xf32, #tpu.memory_space<hbm>> -> memref<24576xf32, #tpu.memory_space<hbm>>
    %dma_start3A_4 = arith.constant 131072 : i32
    %dma_start3A_5 = tpu.memref_slice %arg4[%dma_start3A_4] : memref<155648xf32, #tpu.memory_space<hbm>> -> memref<24576xf32, #tpu.memory_space<hbm>>
    tpu.enqueue_dma source(%dma_start3A_5 : memref<24576xf32, #tpu.memory_space<hbm>>) target(%arg9 : memref<24576xf32, #tpu.memory_space<vmem>>) target_semaphore(%arg14 : memref<!tpu.dma_semaphore, #tpu.memory_space<semaphore_mem>>)
    %mul3A_6 = arith.constant 4 : i32
    %mul3A_7 = arith.muli %add3A, %mul3A_6 : i32
    %add3A_8 = arith.constant 0 : i32
    %add3A_9 = arith.addi %mul3A_7, %add3A_8 : i32
    %mul3A_10 = arith.constant 2 : i32
    %mul3A_11 = arith.muli %add3A_9, %mul3A_10 : i32
    %jit3A = arith.constant 4 : i32
    %div3A = arith.divsi %mul3A_11, %jit3A : i32
    %sign3A = arith.constant 0 : i32
    %sign3A_12 = arith.cmpi sgt, %mul3A_11, %sign3A : i32
    %sign3A_13 = arith.extui %sign3A_12 : i1 to i32
    %sign3A_14 = arith.constant 0 : i32
    %sign3A_15 = arith.cmpi slt, %mul3A_11, %sign3A_14 : i32
    %sign3A_16 = arith.extui %sign3A_15 : i1 to i32
    %sign3A_17 = arith.subi %sign3A_13, %sign3A_16 : i32
    %sign3A_18 = arith.constant 0 : i32
    %sign3A_19 = arith.cmpi sgt, %jit3A, %sign3A_18 : i32
    %sign3A_20 = arith.extui %sign3A_19 : i1 to i32
    %sign3A_21 = arith.constant 0 : i32
    %sign3A_22 = arith.cmpi slt, %jit3A, %sign3A_21 : i32
    %sign3A_23 = arith.extui %sign3A_22 : i1 to i32
    %sign3A_24 = arith.subi %sign3A_20, %sign3A_23 : i32
    %ne3A = arith.cmpi ne, %sign3A_17, %sign3A_24 : i32
    %rem3A = arith.remsi %mul3A_11, %jit3A : i32
    %ne3A_25 = arith.constant 0 : i32
    %ne3A_26 = arith.cmpi ne, %rem3A, %ne3A_25 : i32
    %and3A = arith.andi %ne3A, %ne3A_26 : i1
    %sub3A = arith.constant 1 : i32
    %sub3A_27 = arith.subi %div3A, %sub3A : i32
    %select_n3A = arith.select %and3A, %sub3A_27, %div3A : i32
    %rem3A_28 = arith.constant 0 : i32
    %rem3A_29 = arith.constant 2 : i32
    %rem3A_30 = arith.remsi %rem3A_28, %rem3A_29 : i32
    %mul3A_31 = arith.constant 1024 : i32
    %mul3A_32 = arith.muli %select_n3A, %mul3A_31 : i32
    %add3A_33 = arith.constant 0 : i32
    %add3A_34 = arith.addi %add3A_33, %mul3A_32 : i32
    %dma_start3A_35 = arith.constant 0 : i32
    %dma_start3A_36 = tpu.memref_slice %arg10[%rem3A_30, %dma_start3A_35] : memref<2x2048xf32, #tpu.memory_space<vmem>> -> memref<1x2048xf32, #tpu.memory_space<vmem>>
    %dma_start3A_37 = tpu.memref_squeeze %dma_start3A_36 : memref<1x2048xf32, #tpu.memory_space<vmem>> -> memref<2048xf32, #tpu.memory_space<vmem>>
    %dma_start3A_38 = arith.constant 0 : i32
    %dma_start3A_39 = tpu.memref_slice %dma_start3A_37[%dma_start3A_38] : memref<2048xf32, #tpu.memory_space<vmem>> -> memref<1024xf32, #tpu.memory_space<vmem>>
    %dma_start3A_40 = tpu.memref_slice %arg4[%add3A_34] : memref<155648xf32, #tpu.memory_space<hbm>> -> memref<1024xf32, #tpu.memory_space<hbm>>
    %dma_start3A_41 = tpu.memref_slice %arg13[%rem3A_30] : memref<2x!tpu.dma_semaphore, #tpu.memory_space<semaphore_mem>> -> memref<1x!tpu.dma_semaphore, #tpu.memory_space<semaphore_mem>>
    %dma_start3A_42 = tpu.memref_squeeze %dma_start3A_41 : memref<1x!tpu.dma_semaphore, #tpu.memory_space<semaphore_mem>> -> memref<!tpu.dma_semaphore, #tpu.memory_space<semaphore_mem>>
    %dma_start3A_43 = arith.constant 0 : i32
    %dma_start3A_44 = tpu.memref_slice %arg10[%rem3A_30, %dma_start3A_43] : memref<2x2048xf32, #tpu.memory_space<vmem>> -> memref<1x2048xf32, #tpu.memory_space<vmem>>
    %dma_start3A_45 = tpu.memref_squeeze %dma_start3A_44 : memref<1x2048xf32, #tpu.memory_space<vmem>> -> memref<2048xf32, #tpu.memory_space<vmem>>
    %dma_start3A_46 = arith.constant 0 : i32
    %dma_start3A_47 = tpu.memref_slice %dma_start3A_45[%dma_start3A_46] : memref<2048xf32, #tpu.memory_space<vmem>> -> memref<1024xf32, #tpu.memory_space<vmem>>
    %dma_start3A_48 = tpu.memref_slice %arg4[%add3A_34] : memref<155648xf32, #tpu.memory_space<hbm>> -> memref<1024xf32, #tpu.memory_space<hbm>>
    tpu.enqueue_dma source(%dma_start3A_48 : memref<1024xf32, #tpu.memory_space<hbm>>) target(%dma_start3A_47 : memref<1024xf32, #tpu.memory_space<vmem>>) target_semaphore(%dma_start3A_42 : memref<!tpu.dma_semaphore, #tpu.memory_space<semaphore_mem>>)
    %mul3A_49 = arith.constant 1024 : i32
    %mul3A_50 = arith.muli %select_n3A, %mul3A_49 : i32
    %add3A_51 = arith.constant 65536 : i32
    %add3A_52 = arith.addi %add3A_51, %mul3A_50 : i32
    %dma_start3A_53 = arith.constant 0 : i32
    %dma_start3A_54 = tpu.memref_slice %arg10[%rem3A_30, %dma_start3A_53] : memref<2x2048xf32, #tpu.memory_space<vmem>> -> memref<1x2048xf32, #tpu.memory_space<vmem>>
    %dma_start3A_55 = tpu.memref_squeeze %dma_start3A_54 : memref<1x2048xf32, #tpu.memory_space<vmem>> -> memref<2048xf32, #tpu.memory_space<vmem>>
    %dma_start3A_56 = arith.constant 1024 : i32
    %dma_start3A_57 = tpu.memref_slice %dma_start3A_55[%dma_start3A_56] : memref<2048xf32, #tpu.memory_space<vmem>> -> memref<1024xf32, #tpu.memory_space<vmem>>
    %dma_start3A_58 = tpu.memref_slice %arg4[%add3A_52] : memref<155648xf32, #tpu.memory_space<hbm>> -> memref<1024xf32, #tpu.memory_space<hbm>>
    %dma_start3A_59 = tpu.memref_slice %arg13[%rem3A_30] : memref<2x!tpu.dma_semaphore, #tpu.memory_space<semaphore_mem>> -> memref<1x!tpu.dma_semaphore, #tpu.memory_space<semaphore_mem>>
    %dma_start3A_60 = tpu.memref_squeeze %dma_start3A_59 : memref<1x!tpu.dma_semaphore, #tpu.memory_space<semaphore_mem>> -> memref<!tpu.dma_semaphore, #tpu.memory_space<semaphore_mem>>
    %dma_start3A_61 = arith.constant 0 : i32
    %dma_start3A_62 = tpu.memref_slice %arg10[%rem3A_30, %dma_start3A_61] : memref<2x2048xf32, #tpu.memory_space<vmem>> -> memref<1x2048xf32, #tpu.memory_space<vmem>>
    %dma_start3A_63 = tpu.memref_squeeze %dma_start3A_62 : memref<1x2048xf32, #tpu.memory_space<vmem>> -> memref<2048xf32, #tpu.memory_space<vmem>>
    %dma_start3A_64 = arith.constant 1024 : i32
    %dma_start3A_65 = tpu.memref_slice %dma_start3A_63[%dma_start3A_64] : memref<2048xf32, #tpu.memory_space<vmem>> -> memref<1024xf32, #tpu.memory_space<vmem>>
    %dma_start3A_66 = tpu.memref_slice %arg4[%add3A_52] : memref<155648xf32, #tpu.memory_space<hbm>> -> memref<1024xf32, #tpu.memory_space<hbm>>
    tpu.enqueue_dma source(%dma_start3A_66 : memref<1024xf32, #tpu.memory_space<hbm>>) target(%dma_start3A_65 : memref<1024xf32, #tpu.memory_space<vmem>>) target_semaphore(%dma_start3A_60 : memref<!tpu.dma_semaphore, #tpu.memory_space<semaphore_mem>>)
    %mul3A_67 = arith.constant 4 : i32
    %mul3A_68 = arith.muli %add3A, %mul3A_67 : i32
    %add3A_69 = arith.constant 1 : i32
    %add3A_70 = arith.addi %mul3A_68, %add3A_69 : i32
    %mul3A_71 = arith.constant 2 : i32
    %mul3A_72 = arith.muli %add3A_70, %mul3A_71 : i32
    %jit3A_73 = arith.constant 4 : i32
    %div3A_74 = arith.divsi %mul3A_72, %jit3A_73 : i32
    %sign3A_75 = arith.constant 0 : i32
    %sign3A_76 = arith.cmpi sgt, %mul3A_72, %sign3A_75 : i32
    %sign3A_77 = arith.extui %sign3A_76 : i1 to i32
    %sign3A_78 = arith.constant 0 : i32
    %sign3A_79 = arith.cmpi slt, %mul3A_72, %sign3A_78 : i32
    %sign3A_80 = arith.extui %sign3A_79 : i1 to i32
    %sign3A_81 = arith.subi %sign3A_77, %sign3A_80 : i32
    %sign3A_82 = arith.constant 0 : i32
    %sign3A_83 = arith.cmpi sgt, %jit3A_73, %sign3A_82 : i32
    %sign3A_84 = arith.extui %sign3A_83 : i1 to i32
    %sign3A_85 = arith.constant 0 : i32
    %sign3A_86 = arith.cmpi slt, %jit3A_73, %sign3A_85 : i32
    %sign3A_87 = arith.extui %sign3A_86 : i1 to i32
    %sign3A_88 = arith.subi %sign3A_84, %sign3A_87 : i32
    %ne3A_89 = arith.cmpi ne, %sign3A_81, %sign3A_88 : i32
    %rem3A_90 = arith.remsi %mul3A_72, %jit3A_73 : i32
    %ne3A_91 = arith.constant 0 : i32
    %ne3A_92 = arith.cmpi ne, %rem3A_90, %ne3A_91 : i32
    %and3A_93 = arith.andi %ne3A_89, %ne3A_92 : i1
    %sub3A_94 = arith.constant 1 : i32
    %sub3A_95 = arith.subi %div3A_74, %sub3A_94 : i32
    %select_n3A_96 = arith.select %and3A_93, %sub3A_95, %div3A_74 : i32
    %rem3A_97 = arith.constant 1 : i32
    %rem3A_98 = arith.constant 2 : i32
    %rem3A_99 = arith.remsi %rem3A_97, %rem3A_98 : i32
    %mul3A_100 = arith.constant 1024 : i32
    %mul3A_101 = arith.muli %select_n3A_96, %mul3A_100 : i32
    %add3A_102 = arith.constant 0 : i32
    %add3A_103 = arith.addi %add3A_102, %mul3A_101 : i32
    %dma_start3A_104 = arith.constant 0 : i32
    %dma_start3A_105 = tpu.memref_slice %arg10[%rem3A_99, %dma_start3A_104] : memref<2x2048xf32, #tpu.memory_space<vmem>> -> memref<1x2048xf32, #tpu.memory_space<vmem>>
    %dma_start3A_106 = tpu.memref_squeeze %dma_start3A_105 : memref<1x2048xf32, #tpu.memory_space<vmem>> -> memref<2048xf32, #tpu.memory_space<vmem>>
    %dma_start3A_107 = arith.constant 0 : i32
    %dma_start3A_108 = tpu.memref_slice %dma_start3A_106[%dma_start3A_107] : memref<2048xf32, #tpu.memory_space<vmem>> -> memref<1024xf32, #tpu.memory_space<vmem>>
    %dma_start3A_109 = tpu.memref_slice %arg4[%add3A_103] : memref<155648xf32, #tpu.memory_space<hbm>> -> memref<1024xf32, #tpu.memory_space<hbm>>
    %dma_start3A_110 = tpu.memref_slice %arg13[%rem3A_99] : memref<2x!tpu.dma_semaphore, #tpu.memory_space<semaphore_mem>> -> memref<1x!tpu.dma_semaphore, #tpu.memory_space<semaphore_mem>>
    %dma_start3A_111 = tpu.memref_squeeze %dma_start3A_110 : memref<1x!tpu.dma_semaphore, #tpu.memory_space<semaphore_mem>> -> memref<!tpu.dma_semaphore, #tpu.memory_space<semaphore_mem>>
    %dma_start3A_112 = arith.constant 0 : i32
    %dma_start3A_113 = tpu.memref_slice %arg10[%rem3A_99, %dma_start3A_112] : memref<2x2048xf32, #tpu.memory_space<vmem>> -> memref<1x2048xf32, #tpu.memory_space<vmem>>
    %dma_start3A_114 = tpu.memref_squeeze %dma_start3A_113 : memref<1x2048xf32, #tpu.memory_space<vmem>> -> memref<2048xf32, #tpu.memory_space<vmem>>
    %dma_start3A_115 = arith.constant 0 : i32
    %dma_start3A_116 = tpu.memref_slice %dma_start3A_114[%dma_start3A_115] : memref<2048xf32, #tpu.memory_space<vmem>> -> memref<1024xf32, #tpu.memory_space<vmem>>
    %dma_start3A_117 = tpu.memref_slice %arg4[%add3A_103] : memref<155648xf32, #tpu.memory_space<hbm>> -> memref<1024xf32, #tpu.memory_space<hbm>>
    tpu.enqueue_dma source(%dma_start3A_117 : memref<1024xf32, #tpu.memory_space<hbm>>) target(%dma_start3A_116 : memref<1024xf32, #tpu.memory_space<vmem>>) target_semaphore(%dma_start3A_111 : memref<!tpu.dma_semaphore, #tpu.memory_space<semaphore_mem>>)
    %mul3A_118 = arith.constant 1024 : i32
    %mul3A_119 = arith.muli %select_n3A_96, %mul3A_118 : i32
    %add3A_120 = arith.constant 65536 : i32
    %add3A_121 = arith.addi %add3A_120, %mul3A_119 : i32
    %dma_start3A_122 = arith.constant 0 : i32
    %dma_start3A_123 = tpu.memref_slice %arg10[%rem3A_99, %dma_start3A_122] : memref<2x2048xf32, #tpu.memory_space<vmem>> -> memref<1x2048xf32, #tpu.memory_space<vmem>>
    %dma_start3A_124 = tpu.memref_squeeze %dma_start3A_123 : memref<1x2048xf32, #tpu.memory_space<vmem>> -> memref<2048xf32, #tpu.memory_space<vmem>>
    %dma_start3A_125 = arith.constant 1024 : i32
    %dma_start3A_126 = tpu.memref_slice %dma_start3A_124[%dma_start3A_125] : memref<2048xf32, #tpu.memory_space<vmem>> -> memref<1024xf32, #tpu.memory_space<vmem>>
    %dma_start3A_127 = tpu.memref_slice %arg4[%add3A_121] : memref<155648xf32, #tpu.memory_space<hbm>> -> memref<1024xf32, #tpu.memory_space<hbm>>
    %dma_start3A_128 = tpu.memref_slice %arg13[%rem3A_99] : memref<2x!tpu.dma_semaphore, #tpu.memory_space<semaphore_mem>> -> memref<1x!tpu.dma_semaphore, #tpu.memory_space<semaphore_mem>>
    %dma_start3A_129 = tpu.memref_squeeze %dma_start3A_128 : memref<1x!tpu.dma_semaphore, #tpu.memory_space<semaphore_mem>> -> memref<!tpu.dma_semaphore, #tpu.memory_space<semaphore_mem>>
    %dma_start3A_130 = arith.constant 0 : i32
    %dma_start3A_131 = tpu.memref_slice %arg10[%rem3A_99, %dma_start3A_130] : memref<2x2048xf32, #tpu.memory_space<vmem>> -> memref<1x2048xf32, #tpu.memory_space<vmem>>
    %dma_start3A_132 = tpu.memref_squeeze %dma_start3A_131 : memref<1x2048xf32, #tpu.memory_space<vmem>> -> memref<2048xf32, #tpu.memory_space<vmem>>
    %dma_start3A_133 = arith.constant 1024 : i32
    %dma_start3A_134 = tpu.memref_slice %dma_start3A_132[%dma_start3A_133] : memref<2048xf32, #tpu.memory_space<vmem>> -> memref<1024xf32, #tpu.memory_space<vmem>>
    %dma_start3A_135 = tpu.memref_slice %arg4[%add3A_121] : memref<155648xf32, #tpu.memory_space<hbm>> -> memref<1024xf32, #tpu.memory_space<hbm>>
    tpu.enqueue_dma source(%dma_start3A_135 : memref<1024xf32, #tpu.memory_space<hbm>>) target(%dma_start3A_134 : memref<1024xf32, #tpu.memory_space<vmem>>) target_semaphore(%dma_start3A_129 : memref<!tpu.dma_semaphore, #tpu.memory_space<semaphore_mem>>)
    %dma_start3A_136 = arith.constant 0 : i32
    %dma_start3A_137 = arith.constant 0 : i32
    %dma_start3A_138 = tpu.memref_slice %arg6[%dma_start3A_137] : memref<256xi32, #tpu.memory_space<vmem>> -> memref<64xi32, #tpu.memory_space<vmem>>
    %dma_start3A_139 = tpu.memref_slice %arg3[%dma_start3A_136, %mul3A_2] : memref<4x2048xi32, #tpu.memory_space<hbm>> -> memref<1x64xi32, #tpu.memory_space<hbm>>
    %dma_start3A_140 = tpu.memref_squeeze %dma_start3A_139 : memref<1x64xi32, #tpu.memory_space<hbm>> -> memref<64xi32, #tpu.memory_space<hbm>>
    %dma_start3A_141 = arith.constant 0 : i32
    %dma_start3A_142 = tpu.memref_slice %arg6[%dma_start3A_141] : memref<256xi32, #tpu.memory_space<vmem>> -> memref<64xi32, #tpu.memory_space<vmem>>
    %dma_start3A_143 = tpu.memref_slice %arg3[%dma_start3A_136, %mul3A_2] : memref<4x2048xi32, #tpu.memory_space<hbm>> -> memref<1x64xi32, #tpu.memory_space<hbm>>
    %dma_start3A_144 = tpu.memref_squeeze %dma_start3A_143 : memref<1x64xi32, #tpu.memory_space<hbm>> -> memref<64xi32, #tpu.memory_space<hbm>>
    tpu.enqueue_dma source(%dma_start3A_144 : memref<64xi32, #tpu.memory_space<hbm>>) target(%dma_start3A_142 : memref<64xi32, #tpu.memory_space<vmem>>) target_semaphore(%arg15 : memref<!tpu.dma_semaphore, #tpu.memory_space<semaphore_mem>>)
    %dma_start3A_145 = arith.constant 1 : i32
    %dma_start3A_146 = arith.constant 64 : i32
    %dma_start3A_147 = tpu.memref_slice %arg6[%dma_start3A_146] : memref<256xi32, #tpu.memory_space<vmem>> -> memref<64xi32, #tpu.memory_space<vmem>>
    %dma_start3A_148 = tpu.memref_slice %arg3[%dma_start3A_145, %mul3A_2] : memref<4x2048xi32, #tpu.memory_space<hbm>> -> memref<1x64xi32, #tpu.memory_space<hbm>>
    %dma_start3A_149 = tpu.memref_squeeze %dma_start3A_148 : memref<1x64xi32, #tpu.memory_space<hbm>> -> memref<64xi32, #tpu.memory_space<hbm>>
    %dma_start3A_150 = arith.constant 64 : i32
    %dma_start3A_151 = tpu.memref_slice %arg6[%dma_start3A_150] : memref<256xi32, #tpu.memory_space<vmem>> -> memref<64xi32, #tpu.memory_space<vmem>>
    %dma_start3A_152 = tpu.memref_slice %arg3[%dma_start3A_145, %mul3A_2] : memref<4x2048xi32, #tpu.memory_space<hbm>> -> memref<1x64xi32, #tpu.memory_space<hbm>>
    %dma_start3A_153 = tpu.memref_squeeze %dma_start3A_152 : memref<1x64xi32, #tpu.memory_space<hbm>> -> memref<64xi32, #tpu.memory_space<hbm>>
    tpu.enqueue_dma source(%dma_start3A_153 : memref<64xi32, #tpu.memory_space<hbm>>) target(%dma_start3A_151 : memref<64xi32, #tpu.memory_space<vmem>>) target_semaphore(%arg15 : memref<!tpu.dma_semaphore, #tpu.memory_space<semaphore_mem>>)
    %dma_start3A_154 = arith.constant 2 : i32
    %dma_start3A_155 = arith.constant 128 : i32
    %dma_start3A_156 = tpu.memref_slice %arg6[%dma_start3A_155] : memref<256xi32, #tpu.memory_space<vmem>> -> memref<64xi32, #tpu.memory_space<vmem>>
    %dma_start3A_157 = tpu.memref_slice %arg3[%dma_start3A_154, %mul3A_2] : memref<4x2048xi32, #tpu.memory_space<hbm>> -> memref<1x64xi32, #tpu.memory_space<hbm>>
    %dma_start3A_158 = tpu.memref_squeeze %dma_start3A_157 : memref<1x64xi32, #tpu.memory_space<hbm>> -> memref<64xi32, #tpu.memory_space<hbm>>
    %dma_start3A_159 = arith.constant 128 : i32
    %dma_start3A_160 = tpu.memref_slice %arg6[%dma_start3A_159] : memref<256xi32, #tpu.memory_space<vmem>> -> memref<64xi32, #tpu.memory_space<vmem>>
    %dma_start3A_161 = tpu.memref_slice %arg3[%dma_start3A_154, %mul3A_2] : memref<4x2048xi32, #tpu.memory_space<hbm>> -> memref<1x64xi32, #tpu.memory_space<hbm>>
    %dma_start3A_162 = tpu.memref_squeeze %dma_start3A_161 : memref<1x64xi32, #tpu.memory_space<hbm>> -> memref<64xi32, #tpu.memory_space<hbm>>
    tpu.enqueue_dma source(%dma_start3A_162 : memref<64xi32, #tpu.memory_space<hbm>>) target(%dma_start3A_160 : memref<64xi32, #tpu.memory_space<vmem>>) target_semaphore(%arg15 : memref<!tpu.dma_semaphore, #tpu.memory_space<semaphore_mem>>)
    %dma_start3A_163 = arith.constant 3 : i32
    %dma_start3A_164 = arith.constant 192 : i32
    %dma_start3A_165 = tpu.memref_slice %arg6[%dma_start3A_164] : memref<256xi32, #tpu.memory_space<vmem>> -> memref<64xi32, #tpu.memory_space<vmem>>
    %dma_start3A_166 = tpu.memref_slice %arg3[%dma_start3A_163, %mul3A_2] : memref<4x2048xi32, #tpu.memory_space<hbm>> -> memref<1x64xi32, #tpu.memory_space<hbm>>
    %dma_start3A_167 = tpu.memref_squeeze %dma_start3A_166 : memref<1x64xi32, #tpu.memory_space<hbm>> -> memref<64xi32, #tpu.memory_space<hbm>>
    %dma_start3A_168 = arith.constant 192 : i32
    %dma_start3A_169 = tpu.memref_slice %arg6[%dma_start3A_168] : memref<256xi32, #tpu.memory_space<vmem>> -> memref<64xi32, #tpu.memory_space<vmem>>
    %dma_start3A_170 = tpu.memref_slice %arg3[%dma_start3A_163, %mul3A_2] : memref<4x2048xi32, #tpu.memory_space<hbm>> -> memref<1x64xi32, #tpu.memory_space<hbm>>
    %dma_start3A_171 = tpu.memref_squeeze %dma_start3A_170 : memref<1x64xi32, #tpu.memory_space<hbm>> -> memref<64xi32, #tpu.memory_space<hbm>>
    tpu.enqueue_dma source(%dma_start3A_171 : memref<64xi32, #tpu.memory_space<hbm>>) target(%dma_start3A_169 : memref<64xi32, #tpu.memory_space<vmem>>) target_semaphore(%arg15 : memref<!tpu.dma_semaphore, #tpu.memory_space<semaphore_mem>>)
    %dma_wait3A = arith.constant 0 : i32
    %dma_wait3A_172 = arith.constant 0 : i32
    %dma_wait3A_173 = tpu.memref_slice %arg6[%dma_wait3A_172] : memref<256xi32, #tpu.memory_space<vmem>> -> memref<64xi32, #tpu.memory_space<vmem>>
    %dma_wait3A_174 = tpu.memref_slice %arg3[%dma_wait3A, %mul3A_2] : memref<4x2048xi32, #tpu.memory_space<hbm>> -> memref<1x64xi32, #tpu.memory_space<hbm>>
    %dma_wait3A_175 = tpu.memref_squeeze %dma_wait3A_174 : memref<1x64xi32, #tpu.memory_space<hbm>> -> memref<64xi32, #tpu.memory_space<hbm>>
    %dma_wait3A_176 = arith.constant 0 : i32
    %dma_wait3A_177 = tpu.memref_slice %arg6[%dma_wait3A_176] : memref<256xi32, #tpu.memory_space<vmem>> -> memref<64xi32, #tpu.memory_space<vmem>>
    %dma_wait3A_178 = tpu.memref_slice %arg3[%dma_wait3A, %mul3A_2] : memref<4x2048xi32, #tpu.memory_space<hbm>> -> memref<1x64xi32, #tpu.memory_space<hbm>>
    %dma_wait3A_179 = tpu.memref_squeeze %dma_wait3A_178 : memref<1x64xi32, #tpu.memory_space<hbm>> -> memref<64xi32, #tpu.memory_space<hbm>>
    tpu.wait_dma2 semaphore(%arg15 : memref<!tpu.dma_semaphore, #tpu.memory_space<semaphore_mem>>) src(%dma_wait3A_179 : memref<64xi32, #tpu.memory_space<hbm>>) dst(%dma_wait3A_177 : memref<64xi32, #tpu.memory_space<vmem>>)
    %dma_wait3A_180 = arith.constant 1 : i32
    %dma_wait3A_181 = arith.constant 64 : i32
    %dma_wait3A_182 = tpu.memref_slice %arg6[%dma_wait3A_181] : memref<256xi32, #tpu.memory_space<vmem>> -> memref<64xi32, #tpu.memory_space<vmem>>
    %dma_wait3A_183 = tpu.memref_slice %arg3[%dma_wait3A_180, %mul3A_2] : memref<4x2048xi32, #tpu.memory_space<hbm>> -> memref<1x64xi32, #tpu.memory_space<hbm>>
    %dma_wait3A_184 = tpu.memref_squeeze %dma_wait3A_183 : memref<1x64xi32, #tpu.memory_space<hbm>> -> memref<64xi32, #tpu.memory_space<hbm>>
    %dma_wait3A_185 = arith.constant 64 : i32
    %dma_wait3A_186 = tpu.memref_slice %arg6[%dma_wait3A_185] : memref<256xi32, #tpu.memory_space<vmem>> -> memref<64xi32, #tpu.memory_space<vmem>>
    %dma_wait3A_187 = tpu.memref_slice %arg3[%dma_wait3A_180, %mul3A_2] : memref<4x2048xi32, #tpu.memory_space<hbm>> -> memref<1x64xi32, #tpu.memory_space<hbm>>
    %dma_wait3A_188 = tpu.memref_squeeze %dma_wait3A_187 : memref<1x64xi32, #tpu.memory_space<hbm>> -> memref<64xi32, #tpu.memory_space<hbm>>
    tpu.wait_dma2 semaphore(%arg15 : memref<!tpu.dma_semaphore, #tpu.memory_space<semaphore_mem>>) src(%dma_wait3A_188 : memref<64xi32, #tpu.memory_space<hbm>>) dst(%dma_wait3A_186 : memref<64xi32, #tpu.memory_space<vmem>>)
    %dma_wait3A_189 = arith.constant 2 : i32
    %dma_wait3A_190 = arith.constant 128 : i32
    %dma_wait3A_191 = tpu.memref_slice %arg6[%dma_wait3A_190] : memref<256xi32, #tpu.memory_space<vmem>> -> memref<64xi32, #tpu.memory_space<vmem>>
    %dma_wait3A_192 = tpu.memref_slice %arg3[%dma_wait3A_189, %mul3A_2] : memref<4x2048xi32, #tpu.memory_space<hbm>> -> memref<1x64xi32, #tpu.memory_space<hbm>>
    %dma_wait3A_193 = tpu.memref_squeeze %dma_wait3A_192 : memref<1x64xi32, #tpu.memory_space<hbm>> -> memref<64xi32, #tpu.memory_space<hbm>>
    %dma_wait3A_194 = arith.constant 128 : i32
    %dma_wait3A_195 = tpu.memref_slice %arg6[%dma_wait3A_194] : memref<256xi32, #tpu.memory_space<vmem>> -> memref<64xi32, #tpu.memory_space<vmem>>
    %dma_wait3A_196 = tpu.memref_slice %arg3[%dma_wait3A_189, %mul3A_2] : memref<4x2048xi32, #tpu.memory_space<hbm>> -> memref<1x64xi32, #tpu.memory_space<hbm>>
    %dma_wait3A_197 = tpu.memref_squeeze %dma_wait3A_196 : memref<1x64xi32, #tpu.memory_space<hbm>> -> memref<64xi32, #tpu.memory_space<hbm>>
    tpu.wait_dma2 semaphore(%arg15 : memref<!tpu.dma_semaphore, #tpu.memory_space<semaphore_mem>>) src(%dma_wait3A_197 : memref<64xi32, #tpu.memory_space<hbm>>) dst(%dma_wait3A_195 : memref<64xi32, #tpu.memory_space<vmem>>)
    %dma_wait3A_198 = arith.constant 3 : i32
    %dma_wait3A_199 = arith.constant 192 : i32
    %dma_wait3A_200 = tpu.memref_slice %arg6[%dma_wait3A_199] : memref<256xi32, #tpu.memory_space<vmem>> -> memref<64xi32, #tpu.memory_space<vmem>>
    %dma_wait3A_201 = tpu.memref_slice %arg3[%dma_wait3A_198, %mul3A_2] : memref<4x2048xi32, #tpu.memory_space<hbm>> -> memref<1x64xi32, #tpu.memory_space<hbm>>
    %dma_wait3A_202 = tpu.memref_squeeze %dma_wait3A_201 : memref<1x64xi32, #tpu.memory_space<hbm>> -> memref<64xi32, #tpu.memory_space<hbm>>
    %dma_wait3A_203 = arith.constant 192 : i32
    %dma_wait3A_204 = tpu.memref_slice %arg6[%dma_wait3A_203] : memref<256xi32, #tpu.memory_space<vmem>> -> memref<64xi32, #tpu.memory_space<vmem>>
    %dma_wait3A_205 = tpu.memref_slice %arg3[%dma_wait3A_198, %mul3A_2] : memref<4x2048xi32, #tpu.memory_space<hbm>> -> memref<1x64xi32, #tpu.memory_space<hbm>>
    %dma_wait3A_206 = tpu.memref_squeeze %dma_wait3A_205 : memref<1x64xi32, #tpu.memory_space<hbm>> -> memref<64xi32, #tpu.memory_space<hbm>>
    tpu.wait_dma2 semaphore(%arg15 : memref<!tpu.dma_semaphore, #tpu.memory_space<semaphore_mem>>) src(%dma_wait3A_206 : memref<64xi32, #tpu.memory_space<hbm>>) dst(%dma_wait3A_204 : memref<64xi32, #tpu.memory_space<vmem>>)
    %rem3A_207 = arith.constant 0 : i32
    %rem3A_208 = arith.constant 4 : i32
    %rem3A_209 = arith.remsi %rem3A_207, %rem3A_208 : i32
    %rem3A_210 = arith.constant 0 : i32
    %rem3A_211 = arith.constant 5 : i32
    %rem3A_212 = arith.remsi %rem3A_210, %rem3A_211 : i32
    %mul3A_213 = arith.constant 64 : i32
    %mul3A_214 = arith.muli %rem3A_209, %mul3A_213 : i32
    %add3A_215 = arith.constant 0 : i32
    %add3A_216 = arith.addi %mul3A_214, %add3A_215 : i32
    %dma_start3A_217 = arith.constant 0 : i32
    %dma_start3A_218 = arith.constant 0 : i32
    %dma_start3A_219 = tpu.memref_slice %arg7[%rem3A_212, %dma_start3A_217, %dma_start3A_218] : memref<5x16x1024xf32, #tpu.memory_space<vmem>> -> memref<1x16x1024xf32, #tpu.memory_space<vmem>>
    %dma_start3A_220 = tpu.memref_squeeze %dma_start3A_219 : memref<1x16x1024xf32, #tpu.memory_space<vmem>> -> memref<16x1024xf32, #tpu.memory_space<vmem>>
    %dma_start3A_221 = tpu.memref_slice %arg6[%add3A_216] : memref<256xi32, #tpu.memory_space<vmem>> -> memref<16xi32, #tpu.memory_space<vmem>>
    %dma_start3A_222 = arith.constant 0 : i32
    %dma_start3A_223 = arith.constant 0 : i32
    %dma_start3A_224 = tpu.memref_slice %arg2[%dma_start3A_222, %dma_start3A_223] : memref<100000x1024xf32, #tpu.memory_space<hbm>> -> memref<100000x1024xf32, #tpu.memory_space<hbm>>
    %dma_start3A_225 = tpu.memref_slice %arg11[%rem3A_212] : memref<5x!tpu.dma_semaphore, #tpu.memory_space<semaphore_mem>> -> memref<1x!tpu.dma_semaphore, #tpu.memory_space<semaphore_mem>>
    %dma_start3A_226 = tpu.memref_squeeze %dma_start3A_225 : memref<1x!tpu.dma_semaphore, #tpu.memory_space<semaphore_mem>> -> memref<!tpu.dma_semaphore, #tpu.memory_space<semaphore_mem>>
    tpu.enqueue_indirect_dma source(%dma_start3A_224 : memref<100000x1024xf32, #tpu.memory_space<hbm>>) target(%dma_start3A_220 : memref<16x1024xf32, #tpu.memory_space<vmem>>) offsets(%dma_start3A_221 : memref<16xi32, #tpu.memory_space<vmem>>) semaphore(%dma_start3A_226 : memref<!tpu.dma_semaphore, #tpu.memory_space<semaphore_mem>>)
    %rem3A_227 = arith.constant 1 : i32
    %rem3A_228 = arith.constant 4 : i32
    %rem3A_229 = arith.remsi %rem3A_227, %rem3A_228 : i32
    %rem3A_230 = arith.constant 1 : i32
    %rem3A_231 = arith.constant 5 : i32
    %rem3A_232 = arith.remsi %rem3A_230, %rem3A_231 : i32
    %mul3A_233 = arith.constant 64 : i32
    %mul3A_234 = arith.muli %rem3A_229, %mul3A_233 : i32
    %add3A_235 = arith.constant 0 : i32
    %add3A_236 = arith.addi %mul3A_234, %add3A_235 : i32
    %dma_start3A_237 = arith.constant 0 : i32
    %dma_start3A_238 = arith.constant 0 : i32
    %dma_start3A_239 = tpu.memref_slice %arg7[%rem3A_232, %dma_start3A_237, %dma_start3A_238] : memref<5x16x1024xf32, #tpu.memory_space<vmem>> -> memref<1x16x1024xf32, #tpu.memory_space<vmem>>
    %dma_start3A_240 = tpu.memref_squeeze %dma_start3A_239 : memref<1x16x1024xf32, #tpu.memory_space<vmem>> -> memref<16x1024xf32, #tpu.memory_space<vmem>>
    %dma_start3A_241 = tpu.memref_slice %arg6[%add3A_236] : memref<256xi32, #tpu.memory_space<vmem>> -> memref<16xi32, #tpu.memory_space<vmem>>
    %dma_start3A_242 = arith.constant 0 : i32
    %dma_start3A_243 = arith.constant 0 : i32
    %dma_start3A_244 = tpu.memref_slice %arg2[%dma_start3A_242, %dma_start3A_243] : memref<100000x1024xf32, #tpu.memory_space<hbm>> -> memref<100000x1024xf32, #tpu.memory_space<hbm>>
    %dma_start3A_245 = tpu.memref_slice %arg11[%rem3A_232] : memref<5x!tpu.dma_semaphore, #tpu.memory_space<semaphore_mem>> -> memref<1x!tpu.dma_semaphore, #tpu.memory_space<semaphore_mem>>
    %dma_start3A_246 = tpu.memref_squeeze %dma_start3A_245 : memref<1x!tpu.dma_semaphore, #tpu.memory_space<semaphore_mem>> -> memref<!tpu.dma_semaphore, #tpu.memory_space<semaphore_mem>>
    tpu.enqueue_indirect_dma source(%dma_start3A_244 : memref<100000x1024xf32, #tpu.memory_space<hbm>>) target(%dma_start3A_240 : memref<16x1024xf32, #tpu.memory_space<vmem>>) offsets(%dma_start3A_241 : memref<16xi32, #tpu.memory_space<vmem>>) semaphore(%dma_start3A_246 : memref<!tpu.dma_semaphore, #tpu.memory_space<semaphore_mem>>)
    %rem3A_247 = arith.constant 2 : i32
    %rem3A_248 = arith.constant 4 : i32
    %rem3A_249 = arith.remsi %rem3A_247, %rem3A_248 : i32
    %rem3A_250 = arith.constant 2 : i32
    %rem3A_251 = arith.constant 5 : i32
    %rem3A_252 = arith.remsi %rem3A_250, %rem3A_251 : i32
    %mul3A_253 = arith.constant 64 : i32
    %mul3A_254 = arith.muli %rem3A_249, %mul3A_253 : i32
    %add3A_255 = arith.constant 0 : i32
    %add3A_256 = arith.addi %mul3A_254, %add3A_255 : i32
    %dma_start3A_257 = arith.constant 0 : i32
    %dma_start3A_258 = arith.constant 0 : i32
    %dma_start3A_259 = tpu.memref_slice %arg7[%rem3A_252, %dma_start3A_257, %dma_start3A_258] : memref<5x16x1024xf32, #tpu.memory_space<vmem>> -> memref<1x16x1024xf32, #tpu.memory_space<vmem>>
    %dma_start3A_260 = tpu.memref_squeeze %dma_start3A_259 : memref<1x16x1024xf32, #tpu.memory_space<vmem>> -> memref<16x1024xf32, #tpu.memory_space<vmem>>
    %dma_start3A_261 = tpu.memref_slice %arg6[%add3A_256] : memref<256xi32, #tpu.memory_space<vmem>> -> memref<16xi32, #tpu.memory_space<vmem>>
    %dma_start3A_262 = arith.constant 0 : i32
    %dma_start3A_263 = arith.constant 0 : i32
    %dma_start3A_264 = tpu.memref_slice %arg2[%dma_start3A_262, %dma_start3A_263] : memref<100000x1024xf32, #tpu.memory_space<hbm>> -> memref<100000x1024xf32, #tpu.memory_space<hbm>>
    %dma_start3A_265 = tpu.memref_slice %arg11[%rem3A_252] : memref<5x!tpu.dma_semaphore, #tpu.memory_space<semaphore_mem>> -> memref<1x!tpu.dma_semaphore, #tpu.memory_space<semaphore_mem>>
    %dma_start3A_266 = tpu.memref_squeeze %dma_start3A_265 : memref<1x!tpu.dma_semaphore, #tpu.memory_space<semaphore_mem>> -> memref<!tpu.dma_semaphore, #tpu.memory_space<semaphore_mem>>
    tpu.enqueue_indirect_dma source(%dma_start3A_264 : memref<100000x1024xf32, #tpu.memory_space<hbm>>) target(%dma_start3A_260 : memref<16x1024xf32, #tpu.memory_space<vmem>>) offsets(%dma_start3A_261 : memref<16xi32, #tpu.memory_space<vmem>>) semaphore(%dma_start3A_266 : memref<!tpu.dma_semaphore, #tpu.memory_space<semaphore_mem>>)
    %dma_wait3A_267 = arith.constant 131072 : i32
    %dma_wait3A_268 = tpu.memref_slice %arg4[%dma_wait3A_267] : memref<155648xf32, #tpu.memory_space<hbm>> -> memref<24576xf32, #tpu.memory_space<hbm>>
    %dma_wait3A_269 = arith.constant 131072 : i32
    %dma_wait3A_270 = tpu.memref_slice %arg4[%dma_wait3A_269] : memref<155648xf32, #tpu.memory_space<hbm>> -> memref<24576xf32, #tpu.memory_space<hbm>>
    tpu.wait_dma2 semaphore(%arg14 : memref<!tpu.dma_semaphore, #tpu.memory_space<semaphore_mem>>) src(%dma_wait3A_270 : memref<24576xf32, #tpu.memory_space<hbm>>) dst(%arg9 : memref<24576xf32, #tpu.memory_space<vmem>>)
    %scan3A = arith.constant 0 : i32
    %scan3A_271 = arith.constant 0 : i32
    %scan3A_272 = arith.constant 16 : i32
    %scan3A_273 = arith.addi %scan3A_271, %scan3A_272 : i32
    %scan3A_274 = arith.constant 1 : i32
    %scan3A_275 = scf.for %scan3A_367 = %scan3A_271 to %scan3A_273 step %scan3A_274 iter_args(%scan3A_368 = %scan3A) -> (i32)  : i32 {
      %rem3A_369 = arith.constant 5 : i32
      %rem3A_370 = arith.remsi %scan3A_367, %rem3A_369 : i32
      %jit3A_371 = arith.constant 4 : i32
      %div3A_372 = arith.divsi %scan3A_367, %jit3A_371 : i32
      %sign3A_373 = arith.constant 0 : i32
      %sign3A_374 = arith.cmpi sgt, %scan3A_367, %sign3A_373 : i32
      %sign3A_375 = arith.extui %sign3A_374 : i1 to i32
      %sign3A_376 = arith.constant 0 : i32
      %sign3A_377 = arith.cmpi slt, %scan3A_367, %sign3A_376 : i32
      %sign3A_378 = arith.extui %sign3A_377 : i1 to i32
      %sign3A_379 = arith.subi %sign3A_375, %sign3A_378 : i32
      %sign3A_380 = arith.constant 0 : i32
      %sign3A_381 = arith.cmpi sgt, %jit3A_371, %sign3A_380 : i32
      %sign3A_382 = arith.extui %sign3A_381 : i1 to i32
      %sign3A_383 = arith.constant 0 : i32
      %sign3A_384 = arith.cmpi slt, %jit3A_371, %sign3A_383 : i32
      %sign3A_385 = arith.extui %sign3A_384 : i1 to i32
      %sign3A_386 = arith.subi %sign3A_382, %sign3A_385 : i32
      %ne3A_387 = arith.cmpi ne, %sign3A_379, %sign3A_386 : i32
      %rem3A_388 = arith.remsi %scan3A_367, %jit3A_371 : i32
      %ne3A_389 = arith.constant 0 : i32
      %ne3A_390 = arith.cmpi ne, %rem3A_388, %ne3A_389 : i32
      %and3A_391 = arith.andi %ne3A_387, %ne3A_390 : i1
      %sub3A_392 = arith.constant 1 : i32
      %sub3A_393 = arith.subi %div3A_372, %sub3A_392 : i32
      %select_n3A_394 = arith.select %and3A_391, %sub3A_393, %div3A_372 : i32
      %rem3A_395 = arith.constant 4 : i32
      %rem3A_396 = arith.remsi %scan3A_367, %rem3A_395 : i32
      %add3A_397 = arith.constant 3 : i32
      %add3A_398 = arith.addi %scan3A_367, %add3A_397 : i32
      %rem3A_399 = arith.constant 5 : i32
      %rem3A_400 = arith.remsi %add3A_398, %rem3A_399 : i32
      %lt3A = arith.constant 16 : i32
      %lt3A_401 = arith.cmpi slt, %add3A_398, %lt3A : i32
      %convert_element_type3A = arith.extui %lt3A_401 : i1 to i32
      %cond3A = arith.constant 0 : i32
      %cond3A_402 = arith.cmpi ne, %convert_element_type3A, %cond3A : i32
      scf.if %cond3A_402 {
        %ge3A = arith.constant 5 : i32
        %ge3A_446 = arith.cmpi sge, %add3A_398, %ge3A : i32
        %convert_element_type3A_447 = arith.extui %ge3A_446 : i1 to i32
        %cond3A_448 = arith.constant 0 : i32
        %cond3A_449 = arith.cmpi ne, %convert_element_type3A_447, %cond3A_448 : i32
        scf.if %cond3A_449 {
          %dma_wait3A_493 = arith.constant 0 : i32
          %dma_wait3A_494 = arith.constant 0 : i32
          %dma_wait3A_495 = tpu.memref_slice %arg7[%rem3A_400, %dma_wait3A_493, %dma_wait3A_494] : memref<5x16x1024xf32, #tpu.memory_space<vmem>> -> memref<1x16x1024xf32, #tpu.memory_space<vmem>>
          %dma_wait3A_496 = tpu.memref_squeeze %dma_wait3A_495 : memref<1x16x1024xf32, #tpu.memory_space<vmem>> -> memref<16x1024xf32, #tpu.memory_space<vmem>>
          %dma_wait3A_497 = arith.constant 0 : i32
          %dma_wait3A_498 = arith.constant 0 : i32
          %dma_wait3A_499 = tpu.memref_slice %arg2[%dma_wait3A_497, %dma_wait3A_498] : memref<100000x1024xf32, #tpu.memory_space<hbm>> -> memref<16x1024xf32, #tpu.memory_space<hbm>>
          %dma_wait3A_500 = tpu.memref_slice %arg12[%rem3A_400] : memref<5x!tpu.dma_semaphore, #tpu.memory_space<semaphore_mem>> -> memref<1x!tpu.dma_semaphore, #tpu.memory_space<semaphore_mem>>
          %dma_wait3A_501 = tpu.memref_squeeze %dma_wait3A_500 : memref<1x!tpu.dma_semaphore, #tpu.memory_space<semaphore_mem>> -> memref<!tpu.dma_semaphore, #tpu.memory_space<semaphore_mem>>
          %dma_wait3A_502 = arith.constant 0 : i32
          %dma_wait3A_503 = arith.constant 0 : i32
          %dma_wait3A_504 = tpu.memref_slice %arg7[%rem3A_400, %dma_wait3A_502, %dma_wait3A_503] : memref<5x16x1024xf32, #tpu.memory_space<vmem>> -> memref<1x16x1024xf32, #tpu.memory_space<vmem>>
          %dma_wait3A_505 = tpu.memref_squeeze %dma_wait3A_504 : memref<1x16x1024xf32, #tpu.memory_space<vmem>> -> memref<16x1024xf32, #tpu.memory_space<vmem>>
          %dma_wait3A_506 = arith.constant 0 : i32
          %dma_wait3A_507 = arith.constant 0 : i32
          %dma_wait3A_508 = tpu.memref_slice %arg2[%dma_wait3A_506, %dma_wait3A_507] : memref<100000x1024xf32, #tpu.memory_space<hbm>> -> memref<16x1024xf32, #tpu.memory_space<hbm>>
          tpu.wait_dma2 semaphore(%dma_wait3A_501 : memref<!tpu.dma_semaphore, #tpu.memory_space<semaphore_mem>>) src(%dma_wait3A_508 : memref<16x1024xf32, #tpu.memory_space<hbm>>) dst(%dma_wait3A_505 : memref<16x1024xf32, #tpu.memory_space<vmem>>)
        } else {
        }
        %jit3A_450 = arith.constant 4 : i32
        %div3A_451 = arith.divsi %add3A_398, %jit3A_450 : i32
        %sign3A_452 = arith.constant 0 : i32
        %sign3A_453 = arith.cmpi sgt, %add3A_398, %sign3A_452 : i32
        %sign3A_454 = arith.extui %sign3A_453 : i1 to i32
        %sign3A_455 = arith.constant 0 : i32
        %sign3A_456 = arith.cmpi slt, %add3A_398, %sign3A_455 : i32
        %sign3A_457 = arith.extui %sign3A_456 : i1 to i32
        %sign3A_458 = arith.subi %sign3A_454, %sign3A_457 : i32
        %sign3A_459 = arith.constant 0 : i32
        %sign3A_460 = arith.cmpi sgt, %jit3A_450, %sign3A_459 : i32
        %sign3A_461 = arith.extui %sign3A_460 : i1 to i32
        %sign3A_462 = arith.constant 0 : i32
        %sign3A_463 = arith.cmpi slt, %jit3A_450, %sign3A_462 : i32
        %sign3A_464 = arith.extui %sign3A_463 : i1 to i32
        %sign3A_465 = arith.subi %sign3A_461, %sign3A_464 : i32
        %ne3A_466 = arith.cmpi ne, %sign3A_458, %sign3A_465 : i32
        %rem3A_467 = arith.remsi %add3A_398, %jit3A_450 : i32
        %ne3A_468 = arith.constant 0 : i32
        %ne3A_469 = arith.cmpi ne, %rem3A_467, %ne3A_468 : i32
        %and3A_470 = arith.andi %ne3A_466, %ne3A_469 : i1
        %sub3A_471 = arith.constant 1 : i32
        %sub3A_472 = arith.subi %div3A_451, %sub3A_471 : i32
        %select_n3A_473 = arith.select %and3A_470, %sub3A_472, %div3A_451 : i32
        %rem3A_474 = arith.constant 4 : i32
        %rem3A_475 = arith.remsi %add3A_398, %rem3A_474 : i32
        %rem3A_476 = arith.constant 5 : i32
        %rem3A_477 = arith.remsi %add3A_398, %rem3A_476 : i32
        %mul3A_478 = arith.constant 64 : i32
        %mul3A_479 = arith.muli %rem3A_475, %mul3A_478 : i32
        %mul3A_480 = arith.constant 16 : i32
        %mul3A_481 = arith.muli %select_n3A_473, %mul3A_480 : i32
        %add3A_482 = arith.addi %mul3A_479, %mul3A_481 : i32
        %dma_start3A_483 = arith.constant 0 : i32
        %dma_start3A_484 = arith.constant 0 : i32
        %dma_start3A_485 = tpu.memref_slice %arg7[%rem3A_477, %dma_start3A_483, %dma_start3A_484] : memref<5x16x1024xf32, #tpu.memory_space<vmem>> -> memref<1x16x1024xf32, #tpu.memory_space<vmem>>
        %dma_start3A_486 = tpu.memref_squeeze %dma_start3A_485 : memref<1x16x1024xf32, #tpu.memory_space<vmem>> -> memref<16x1024xf32, #tpu.memory_space<vmem>>
        %dma_start3A_487 = tpu.memref_slice %arg6[%add3A_482] : memref<256xi32, #tpu.memory_space<vmem>> -> memref<16xi32, #tpu.memory_space<vmem>>
        %dma_start3A_488 = arith.constant 0 : i32
        %dma_start3A_489 = arith.constant 0 : i32
        %dma_start3A_490 = tpu.memref_slice %arg2[%dma_start3A_488, %dma_start3A_489] : memref<100000x1024xf32, #tpu.memory_space<hbm>> -> memref<100000x1024xf32, #tpu.memory_space<hbm>>
        %dma_start3A_491 = tpu.memref_slice %arg11[%rem3A_477] : memref<5x!tpu.dma_semaphore, #tpu.memory_space<semaphore_mem>> -> memref<1x!tpu.dma_semaphore, #tpu.memory_space<semaphore_mem>>
        %dma_start3A_492 = tpu.memref_squeeze %dma_start3A_491 : memref<1x!tpu.dma_semaphore, #tpu.memory_space<semaphore_mem>> -> memref<!tpu.dma_semaphore, #tpu.memory_space<semaphore_mem>>
        tpu.enqueue_indirect_dma source(%dma_start3A_490 : memref<100000x1024xf32, #tpu.memory_space<hbm>>) target(%dma_start3A_486 : memref<16x1024xf32, #tpu.memory_space<vmem>>) offsets(%dma_start3A_487 : memref<16xi32, #tpu.memory_space<vmem>>) semaphore(%dma_start3A_492 : memref<!tpu.dma_semaphore, #tpu.memory_space<semaphore_mem>>)
      } else {
      }
      %eq3A = arith.constant 0 : i32
      %eq3A_403 = arith.cmpi eq, %rem3A_396, %eq3A : i32
      %convert_element_type3A_404 = arith.extui %eq3A_403 : i1 to i32
      %cond3A_405 = arith.constant 0 : i32
      %cond3A_406 = arith.cmpi ne, %convert_element_type3A_404, %cond3A_405 : i32
      scf.if %cond3A_406 {
        %rem3A_446 = arith.constant 2 : i32
        %rem3A_447 = arith.remsi %select_n3A_394, %rem3A_446 : i32
        %dma_wait3A_448 = arith.constant 0 : i32
        %dma_wait3A_449 = tpu.memref_slice %arg10[%rem3A_447, %dma_wait3A_448] : memref<2x2048xf32, #tpu.memory_space<vmem>> -> memref<1x2048xf32, #tpu.memory_space<vmem>>
        %dma_wait3A_450 = tpu.memref_squeeze %dma_wait3A_449 : memref<1x2048xf32, #tpu.memory_space<vmem>> -> memref<2048xf32, #tpu.memory_space<vmem>>
        %dma_wait3A_451 = arith.constant 0 : i32
        %dma_wait3A_452 = tpu.memref_slice %arg4[%dma_wait3A_451] : memref<155648xf32, #tpu.memory_space<hbm>> -> memref<2048xf32, #tpu.memory_space<hbm>>
        %dma_wait3A_453 = tpu.memref_slice %arg13[%rem3A_447] : memref<2x!tpu.dma_semaphore, #tpu.memory_space<semaphore_mem>> -> memref<1x!tpu.dma_semaphore, #tpu.memory_space<semaphore_mem>>
        %dma_wait3A_454 = tpu.memref_squeeze %dma_wait3A_453 : memref<1x!tpu.dma_semaphore, #tpu.memory_space<semaphore_mem>> -> memref<!tpu.dma_semaphore, #tpu.memory_space<semaphore_mem>>
        %dma_wait3A_455 = arith.constant 0 : i32
        %dma_wait3A_456 = tpu.memref_slice %arg10[%rem3A_447, %dma_wait3A_455] : memref<2x2048xf32, #tpu.memory_space<vmem>> -> memref<1x2048xf32, #tpu.memory_space<vmem>>
        %dma_wait3A_457 = tpu.memref_squeeze %dma_wait3A_456 : memref<1x2048xf32, #tpu.memory_space<vmem>> -> memref<2048xf32, #tpu.memory_space<vmem>>
        %dma_wait3A_458 = arith.constant 0 : i32
        %dma_wait3A_459 = tpu.memref_slice %arg4[%dma_wait3A_458] : memref<155648xf32, #tpu.memory_space<hbm>> -> memref<2048xf32, #tpu.memory_space<hbm>>
        tpu.wait_dma2 semaphore(%dma_wait3A_454 : memref<!tpu.dma_semaphore, #tpu.memory_space<semaphore_mem>>) src(%dma_wait3A_459 : memref<2048xf32, #tpu.memory_space<hbm>>) dst(%dma_wait3A_457 : memref<2048xf32, #tpu.memory_space<vmem>>)
        %mul3A_460 = arith.constant 4 : i32
        %mul3A_461 = arith.muli %add3A, %mul3A_460 : i32
        %add3A_462 = arith.addi %mul3A_461, %select_n3A_394 : i32
        %mul3A_463 = arith.constant 2 : i32
        %mul3A_464 = arith.muli %add3A_462, %mul3A_463 : i32
        %rem3A_465 = arith.constant 4 : i32
        %rem3A_466 = arith.remsi %mul3A_464, %rem3A_465 : i32
        %parallel_loop3A_467 = arith.constant 0 : i32
        %parallel_loop3A_468 = arith.constant 64 : i32
        %parallel_loop3A_469 = arith.constant 1 : i32
        scf.for %parallel_loop3A_475 = %parallel_loop3A_467 to %parallel_loop3A_468 step %parallel_loop3A_469  : i32 {
          %parallel_loop3A_476 = arith.constant 4 : i32
          %parallel_loop3A_477 = arith.shli %parallel_loop3A_475, %parallel_loop3A_476 : i32
          %parallel_loop3A_478 = tpu.assume_multiple %parallel_loop3A_477, 16 : i32
          %parallel_loop3A_479 = arith.constant 0 : i32
          %parallel_loop3A_480 = tpu.memref_slice %arg10[%rem3A_447, %parallel_loop3A_479] : memref<2x2048xf32, #tpu.memory_space<vmem>> -> memref<1x2048xf32, #tpu.memory_space<vmem>>
          %parallel_loop3A_481 = tpu.memref_squeeze %parallel_loop3A_480 : memref<1x2048xf32, #tpu.memory_space<vmem>> -> memref<2048xf32, #tpu.memory_space<vmem>>
          %parallel_loop3A_482 = arith.index_cast %parallel_loop3A_478 : i32 to index
          %parallel_loop3A_483 = tpu.vector_load %parallel_loop3A_481[%parallel_loop3A_482] {strides = array<i32>} : memref<2048xf32, #tpu.memory_space<vmem>>, vector<16xf32>,
          %parallel_loop3A_484 = vector.shape_cast %parallel_loop3A_483 : vector<16xf32> to vector<16xf32>
          %parallel_loop3A_485 = arith.constant 1024 : i32
          %parallel_loop3A_486 = arith.addi %parallel_loop3A_485, %parallel_loop3A_478 : i32
          %parallel_loop3A_487 = arith.constant 0 : i32
          %parallel_loop3A_488 = tpu.memref_slice %arg10[%rem3A_447, %parallel_loop3A_487] : memref<2x2048xf32, #tpu.memory_space<vmem>> -> memref<1x2048xf32, #tpu.memory_space<vmem>>
          %parallel_loop3A_489 = tpu.memref_squeeze %parallel_loop3A_488 : memref<1x2048xf32, #tpu.memory_space<vmem>> -> memref<2048xf32, #tpu.memory_space<vmem>>
          %parallel_loop3A_490 = arith.index_cast %parallel_loop3A_486 : i32 to index
          %parallel_loop3A_491 = tpu.vector_load %parallel_loop3A_489[%parallel_loop3A_490] {strides = array<i32>} : memref<2048xf32, #tpu.memory_space<vmem>>, vector<16xf32>,
          %parallel_loop3A_492 = vector.shape_cast %parallel_loop3A_491 : vector<16xf32> to vector<16xf32>
          %parallel_loop3A_493 = arith.constant 1024 : i32
          %parallel_loop3A_494 = arith.muli %rem3A_466, %parallel_loop3A_493 : i32
          %parallel_loop3A_495 = arith.addi %parallel_loop3A_494, %parallel_loop3A_478 : i32
          %parallel_loop3A_496 = arith.index_cast %parallel_loop3A_495 : i32 to index
          %parallel_loop3A_497 = tpu.vector_load %arg9[%parallel_loop3A_496] {strides = array<i32>} : memref<24576xf32, #tpu.memory_space<vmem>>, vector<16xf32>,
          %parallel_loop3A_498 = vector.shape_cast %parallel_loop3A_497 : vector<16xf32> to vector<16xf32>
          %parallel_loop3A_499 = arith.constant 1024 : i32
          %parallel_loop3A_500 = arith.muli %rem3A_466, %parallel_loop3A_499 : i32
          %parallel_loop3A_501 = arith.constant 4096 : i32
          %parallel_loop3A_502 = arith.addi %parallel_loop3A_501, %parallel_loop3A_500 : i32
          %parallel_loop3A_503 = arith.addi %parallel_loop3A_502, %parallel_loop3A_478 : i32
          %parallel_loop3A_504 = arith.index_cast %parallel_loop3A_503 : i32 to index
          %parallel_loop3A_505 = tpu.vector_load %arg9[%parallel_loop3A_504] {strides = array<i32>} : memref<24576xf32, #tpu.memory_space<vmem>>, vector<16xf32>,
          %parallel_loop3A_506 = vector.shape_cast %parallel_loop3A_505 : vector<16xf32> to vector<16xf32>
          %parallel_loop3A_507 = arith.constant 1 : i32
          %parallel_loop3A_508 = arith.addi %rem3A_466, %parallel_loop3A_507 : i32
          %parallel_loop3A_509 = arith.constant 1024 : i32
          %parallel_loop3A_510 = arith.muli %parallel_loop3A_508, %parallel_loop3A_509 : i32
          %parallel_loop3A_511 = arith.addi %parallel_loop3A_510, %parallel_loop3A_478 : i32
          %parallel_loop3A_512 = arith.index_cast %parallel_loop3A_511 : i32 to index
          %parallel_loop3A_513 = tpu.vector_load %arg9[%parallel_loop3A_512] {strides = array<i32>} : memref<24576xf32, #tpu.memory_space<vmem>>, vector<16xf32>,
          %parallel_loop3A_514 = vector.shape_cast %parallel_loop3A_513 : vector<16xf32> to vector<16xf32>
          %parallel_loop3A_515 = arith.constant 1 : i32
          %parallel_loop3A_516 = arith.addi %rem3A_466, %parallel_loop3A_515 : i32
          %parallel_loop3A_517 = arith.constant 1024 : i32
          %parallel_loop3A_518 = arith.muli %parallel_loop3A_516, %parallel_loop3A_517 : i32
          %parallel_loop3A_519 = arith.constant 4096 : i32
          %parallel_loop3A_520 = arith.addi %parallel_loop3A_519, %parallel_loop3A_518 : i32
          %parallel_loop3A_521 = arith.addi %parallel_loop3A_520, %parallel_loop3A_478 : i32
          %parallel_loop3A_522 = arith.index_cast %parallel_loop3A_521 : i32 to index
          %parallel_loop3A_523 = tpu.vector_load %arg9[%parallel_loop3A_522] {strides = array<i32>} : memref<24576xf32, #tpu.memory_space<vmem>>, vector<16xf32>,
          %parallel_loop3A_524 = vector.shape_cast %parallel_loop3A_523 : vector<16xf32> to vector<16xf32>
          %parallel_loop3A_525 = arith.mulf %parallel_loop3A_484, %parallel_loop3A_498 : vector<16xf32>
          %parallel_loop3A_526 = arith.mulf %parallel_loop3A_492, %parallel_loop3A_506 : vector<16xf32>
          %parallel_loop3A_527 = arith.addf %parallel_loop3A_525, %parallel_loop3A_526 : vector<16xf32>
          %parallel_loop3A_528 = arith.mulf %parallel_loop3A_492, %parallel_loop3A_498 : vector<16xf32>
          %parallel_loop3A_529 = arith.mulf %parallel_loop3A_484, %parallel_loop3A_506 : vector<16xf32>
          %parallel_loop3A_530 = arith.subf %parallel_loop3A_528, %parallel_loop3A_529 : vector<16xf32>
          %parallel_loop3A_531 = arith.mulf %parallel_loop3A_484, %parallel_loop3A_514 : vector<16xf32>
          %parallel_loop3A_532 = arith.mulf %parallel_loop3A_492, %parallel_loop3A_524 : vector<16xf32>
          %parallel_loop3A_533 = arith.addf %parallel_loop3A_531, %parallel_loop3A_532 : vector<16xf32>
          %parallel_loop3A_534 = arith.mulf %parallel_loop3A_492, %parallel_loop3A_514 : vector<16xf32>
          %parallel_loop3A_535 = arith.mulf %parallel_loop3A_484, %parallel_loop3A_524 : vector<16xf32>
          %parallel_loop3A_536 = arith.subf %parallel_loop3A_534, %parallel_loop3A_535 : vector<16xf32>
          %parallel_loop3A_537 = arith.constant 8192 : i32
          %parallel_loop3A_538 = arith.addi %parallel_loop3A_537, %parallel_loop3A_478 : i32
          %parallel_loop3A_539 = arith.index_cast %parallel_loop3A_538 : i32 to index
          %parallel_loop3A_540 = tpu.vector_load %arg9[%parallel_loop3A_539] {strides = array<i32>} : memref<24576xf32, #tpu.memory_space<vmem>>, vector<16xf32>,
          %parallel_loop3A_541 = vector.shape_cast %parallel_loop3A_540 : vector<16xf32> to vector<16xf32>
          %parallel_loop3A_542 = arith.constant 16384 : i32
          %parallel_loop3A_543 = arith.addi %parallel_loop3A_542, %parallel_loop3A_478 : i32
          %parallel_loop3A_544 = arith.index_cast %parallel_loop3A_543 : i32 to index
          %parallel_loop3A_545 = tpu.vector_load %arg9[%parallel_loop3A_544] {strides = array<i32>} : memref<24576xf32, #tpu.memory_space<vmem>>, vector<16xf32>,
          %parallel_loop3A_546 = vector.shape_cast %parallel_loop3A_545 : vector<16xf32> to vector<16xf32>
          %parallel_loop3A_547 = arith.mulf %parallel_loop3A_527, %parallel_loop3A_541 : vector<16xf32>
          %parallel_loop3A_548 = arith.mulf %parallel_loop3A_530, %parallel_loop3A_546 : vector<16xf32>
          %parallel_loop3A_549 = arith.addf %parallel_loop3A_547, %parallel_loop3A_548 : vector<16xf32>
          %parallel_loop3A_550 = arith.constant 0 : i32
          %parallel_loop3A_551 = arith.index_cast %parallel_loop3A_550 : i32 to index
          %parallel_loop3A_552 = arith.index_cast %parallel_loop3A_478 : i32 to index
          %parallel_loop3A_553 = tpu.vector_load %arg8[%parallel_loop3A_551, %parallel_loop3A_552] {strides = array<i32>} : memref<16x1024xf32, #tpu.memory_space<vmem>>, vector<1x16xf32>,
          %parallel_loop3A_554 = vector.shape_cast %parallel_loop3A_553 : vector<1x16xf32> to vector<16xf32>
          %parallel_loop3A_555 = vector.shape_cast %parallel_loop3A_549 : vector<16xf32> to vector<1x16xf32>
          tpu.vector_store %arg8[%parallel_loop3A_551, %parallel_loop3A_552], %parallel_loop3A_555 {strides = array<i32>} : memref<16x1024xf32, #tpu.memory_space<vmem>>, vector<1x16xf32>,
          %parallel_loop3A_556 = arith.mulf %parallel_loop3A_533, %parallel_loop3A_541 : vector<16xf32>
          %parallel_loop3A_557 = arith.mulf %parallel_loop3A_536, %parallel_loop3A_546 : vector<16xf32>
          %parallel_loop3A_558 = arith.addf %parallel_loop3A_556, %parallel_loop3A_557 : vector<16xf32>
          %parallel_loop3A_559 = arith.constant 8 : i32
          %parallel_loop3A_560 = arith.index_cast %parallel_loop3A_559 : i32 to index
          %parallel_loop3A_561 = arith.index_cast %parallel_loop3A_478 : i32 to index
          %parallel_loop3A_562 = tpu.vector_load %arg8[%parallel_loop3A_560, %parallel_loop3A_561] {strides = array<i32>} : memref<16x1024xf32, #tpu.memory_space<vmem>>, vector<1x16xf32>,
          %parallel_loop3A_563 = vector.shape_cast %parallel_loop3A_562 : vector<1x16xf32> to vector<16xf32>
          %parallel_loop3A_564 = vector.shape_cast %parallel_loop3A_558 : vector<16xf32> to vector<1x16xf32>
          tpu.vector_store %arg8[%parallel_loop3A_560, %parallel_loop3A_561], %parallel_loop3A_564 {strides = array<i32>} : memref<16x1024xf32, #tpu.memory_space<vmem>>, vector<1x16xf32>,
          %parallel_loop3A_565 = arith.constant 9216 : i32
          %parallel_loop3A_566 = arith.addi %parallel_loop3A_565, %parallel_loop3A_478 : i32
          %parallel_loop3A_567 = arith.index_cast %parallel_loop3A_566 : i32 to index
          %parallel_loop3A_568 = tpu.vector_load %arg9[%parallel_loop3A_567] {strides = array<i32>} : memref<24576xf32, #tpu.memory_space<vmem>>, vector<16xf32>,
          %parallel_loop3A_569 = vector.shape_cast %parallel_loop3A_568 : vector<16xf32> to vector<16xf32>
          %parallel_loop3A_570 = arith.constant 17408 : i32
          %parallel_loop3A_571 = arith.addi %parallel_loop3A_570, %parallel_loop3A_478 : i32
          %parallel_loop3A_572 = arith.index_cast %parallel_loop3A_571 : i32 to index
          %parallel_loop3A_573 = tpu.vector_load %arg9[%parallel_loop3A_572] {strides = array<i32>} : memref<24576xf32, #tpu.memory_space<vmem>>, vector<16xf32>,
          %parallel_loop3A_574 = vector.shape_cast %parallel_loop3A_573 : vector<16xf32> to vector<16xf32>
          %parallel_loop3A_575 = arith.mulf %parallel_loop3A_527, %parallel_loop3A_569 : vector<16xf32>
          %parallel_loop3A_576 = arith.mulf %parallel_loop3A_530, %parallel_loop3A_574 : vector<16xf32>
          %parallel_loop3A_577 = arith.addf %parallel_loop3A_575, %parallel_loop3A_576 : vector<16xf32>
          %parallel_loop3A_578 = arith.constant 1 : i32
          %parallel_loop3A_579 = arith.index_cast %parallel_loop3A_578 : i32 to index
          %parallel_loop3A_580 = arith.index_cast %parallel_loop3A_478 : i32 to index
          %parallel_loop3A_581 = tpu.vector_load %arg8[%parallel_loop3A_579, %parallel_loop3A_580] {strides = array<i32>} : memref<16x1024xf32, #tpu.memory_space<vmem>>, vector<1x16xf32>,
          %parallel_loop3A_582 = vector.shape_cast %parallel_loop3A_581 : vector<1x16xf32> to vector<16xf32>
          %parallel_loop3A_583 = vector.shape_cast %parallel_loop3A_577 : vector<16xf32> to vector<1x16xf32>
          tpu.vector_store %arg8[%parallel_loop3A_579, %parallel_loop3A_580], %parallel_loop3A_583 {strides = array<i32>} : memref<16x1024xf32, #tpu.memory_space<vmem>>, vector<1x16xf32>,
          %parallel_loop3A_584 = arith.mulf %parallel_loop3A_533, %parallel_loop3A_569 : vector<16xf32>
          %parallel_loop3A_585 = arith.mulf %parallel_loop3A_536, %parallel_loop3A_574 : vector<16xf32>
          %parallel_loop3A_586 = arith.addf %parallel_loop3A_584, %parallel_loop3A_585 : vector<16xf32>
          %parallel_loop3A_587 = arith.constant 9 : i32
          %parallel_loop3A_588 = arith.index_cast %parallel_loop3A_587 : i32 to index
          %parallel_loop3A_589 = arith.index_cast %parallel_loop3A_478 : i32 to index
          %parallel_loop3A_590 = tpu.vector_load %arg8[%parallel_loop3A_588, %parallel_loop3A_589] {strides = array<i32>} : memref<16x1024xf32, #tpu.memory_space<vmem>>, vector<1x16xf32>,
          %parallel_loop3A_591 = vector.shape_cast %parallel_loop3A_590 : vector<1x16xf32> to vector<16xf32>
          %parallel_loop3A_592 = vector.shape_cast %parallel_loop3A_586 : vector<16xf32> to vector<1x16xf32>
          tpu.vector_store %arg8[%parallel_loop3A_588, %parallel_loop3A_589], %parallel_loop3A_592 {strides = array<i32>} : memref<16x1024xf32, #tpu.memory_space<vmem>>, vector<1x16xf32>,
          %parallel_loop3A_593 = arith.constant 10240 : i32
          %parallel_loop3A_594 = arith.addi %parallel_loop3A_593, %parallel_loop3A_478 : i32
          %parallel_loop3A_595 = arith.index_cast %parallel_loop3A_594 : i32 to index
          %parallel_loop3A_596 = tpu.vector_load %arg9[%parallel_loop3A_595] {strides = array<i32>} : memref<24576xf32, #tpu.memory_space<vmem>>, vector<16xf32>,
          %parallel_loop3A_597 = vector.shape_cast %parallel_loop3A_596 : vector<16xf32> to vector<16xf32>
          %parallel_loop3A_598 = arith.constant 18432 : i32
          %parallel_loop3A_599 = arith.addi %parallel_loop3A_598, %parallel_loop3A_478 : i32
          %parallel_loop3A_600 = arith.index_cast %parallel_loop3A_599 : i32 to index
          %parallel_loop3A_601 = tpu.vector_load %arg9[%parallel_loop3A_600] {strides = array<i32>} : memref<24576xf32, #tpu.memory_space<vmem>>, vector<16xf32>,
          %parallel_loop3A_602 = vector.shape_cast %parallel_loop3A_601 : vector<16xf32> to vector<16xf32>
          %parallel_loop3A_603 = arith.mulf %parallel_loop3A_527, %parallel_loop3A_597 : vector<16xf32>
          %parallel_loop3A_604 = arith.mulf %parallel_loop3A_530, %parallel_loop3A_602 : vector<16xf32>
          %parallel_loop3A_605 = arith.addf %parallel_loop3A_603, %parallel_loop3A_604 : vector<16xf32>
          %parallel_loop3A_606 = arith.constant 2 : i32
          %parallel_loop3A_607 = arith.index_cast %parallel_loop3A_606 : i32 to index
          %parallel_loop3A_608 = arith.index_cast %parallel_loop3A_478 : i32 to index
          %parallel_loop3A_609 = tpu.vector_load %arg8[%parallel_loop3A_607, %parallel_loop3A_608] {strides = array<i32>} : memref<16x1024xf32, #tpu.memory_space<vmem>>, vector<1x16xf32>,
          %parallel_loop3A_610 = vector.shape_cast %parallel_loop3A_609 : vector<1x16xf32> to vector<16xf32>
          %parallel_loop3A_611 = vector.shape_cast %parallel_loop3A_605 : vector<16xf32> to vector<1x16xf32>
          tpu.vector_store %arg8[%parallel_loop3A_607, %parallel_loop3A_608], %parallel_loop3A_611 {strides = array<i32>} : memref<16x1024xf32, #tpu.memory_space<vmem>>, vector<1x16xf32>,
          %parallel_loop3A_612 = arith.mulf %parallel_loop3A_533, %parallel_loop3A_597 : vector<16xf32>
          %parallel_loop3A_613 = arith.mulf %parallel_loop3A_536, %parallel_loop3A_602 : vector<16xf32>
          %parallel_loop3A_614 = arith.addf %parallel_loop3A_612, %parallel_loop3A_613 : vector<16xf32>
          %parallel_loop3A_615 = arith.constant 10 : i32
          %parallel_loop3A_616 = arith.index_cast %parallel_loop3A_615 : i32 to index
          %parallel_loop3A_617 = arith.index_cast %parallel_loop3A_478 : i32 to index
          %parallel_loop3A_618 = tpu.vector_load %arg8[%parallel_loop3A_616, %parallel_loop3A_617] {strides = array<i32>} : memref<16x1024xf32, #tpu.memory_space<vmem>>, vector<1x16xf32>,
          %parallel_loop3A_619 = vector.shape_cast %parallel_loop3A_618 : vector<1x16xf32> to vector<16xf32>
          %parallel_loop3A_620 = vector.shape_cast %parallel_loop3A_614 : vector<16xf32> to vector<1x16xf32>
          tpu.vector_store %arg8[%parallel_loop3A_616, %parallel_loop3A_617], %parallel_loop3A_620 {strides = array<i32>} : memref<16x1024xf32, #tpu.memory_space<vmem>>, vector<1x16xf32>,
          %parallel_loop3A_621 = arith.constant 11264 : i32
          %parallel_loop3A_622 = arith.addi %parallel_loop3A_621, %parallel_loop3A_478 : i32
          %parallel_loop3A_623 = arith.index_cast %parallel_loop3A_622 : i32 to index
          %parallel_loop3A_624 = tpu.vector_load %arg9[%parallel_loop3A_623] {strides = array<i32>} : memref<24576xf32, #tpu.memory_space<vmem>>, vector<16xf32>,
          %parallel_loop3A_625 = vector.shape_cast %parallel_loop3A_624 : vector<16xf32> to vector<16xf32>
          %parallel_loop3A_626 = arith.constant 19456 : i32
          %parallel_loop3A_627 = arith.addi %parallel_loop3A_626, %parallel_loop3A_478 : i32
          %parallel_loop3A_628 = arith.index_cast %parallel_loop3A_627 : i32 to index
          %parallel_loop3A_629 = tpu.vector_load %arg9[%parallel_loop3A_628] {strides = array<i32>} : memref<24576xf32, #tpu.memory_space<vmem>>, vector<16xf32>,
          %parallel_loop3A_630 = vector.shape_cast %parallel_loop3A_629 : vector<16xf32> to vector<16xf32>
          %parallel_loop3A_631 = arith.mulf %parallel_loop3A_527, %parallel_loop3A_625 : vector<16xf32>
          %parallel_loop3A_632 = arith.mulf %parallel_loop3A_530, %parallel_loop3A_630 : vector<16xf32>
          %parallel_loop3A_633 = arith.addf %parallel_loop3A_631, %parallel_loop3A_632 : vector<16xf32>
          %parallel_loop3A_634 = arith.constant 3 : i32
          %parallel_loop3A_635 = arith.index_cast %parallel_loop3A_634 : i32 to index
          %parallel_loop3A_636 = arith.index_cast %parallel_loop3A_478 : i32 to index
          %parallel_loop3A_637 = tpu.vector_load %arg8[%parallel_loop3A_635, %parallel_loop3A_636] {strides = array<i32>} : memref<16x1024xf32, #tpu.memory_space<vmem>>, vector<1x16xf32>,
          %parallel_loop3A_638 = vector.shape_cast %parallel_loop3A_637 : vector<1x16xf32> to vector<16xf32>
          %parallel_loop3A_639 = vector.shape_cast %parallel_loop3A_633 : vector<16xf32> to vector<1x16xf32>
          tpu.vector_store %arg8[%parallel_loop3A_635, %parallel_loop3A_636], %parallel_loop3A_639 {strides = array<i32>} : memref<16x1024xf32, #tpu.memory_space<vmem>>, vector<1x16xf32>,
          %parallel_loop3A_640 = arith.mulf %parallel_loop3A_533, %parallel_loop3A_625 : vector<16xf32>
          %parallel_loop3A_641 = arith.mulf %parallel_loop3A_536, %parallel_loop3A_630 : vector<16xf32>
          %parallel_loop3A_642 = arith.addf %parallel_loop3A_640, %parallel_loop3A_641 : vector<16xf32>
          %parallel_loop3A_643 = arith.constant 11 : i32
          %parallel_loop3A_644 = arith.index_cast %parallel_loop3A_643 : i32 to index
          %parallel_loop3A_645 = arith.index_cast %parallel_loop3A_478 : i32 to index
          %parallel_loop3A_646 = tpu.vector_load %arg8[%parallel_loop3A_644, %parallel_loop3A_645] {strides = array<i32>} : memref<16x1024xf32, #tpu.memory_space<vmem>>, vector<1x16xf32>,
          %parallel_loop3A_647 = vector.shape_cast %parallel_loop3A_646 : vector<1x16xf32> to vector<16xf32>
          %parallel_loop3A_648 = vector.shape_cast %parallel_loop3A_642 : vector<16xf32> to vector<1x16xf32>
          tpu.vector_store %arg8[%parallel_loop3A_644, %parallel_loop3A_645], %parallel_loop3A_648 {strides = array<i32>} : memref<16x1024xf32, #tpu.memory_space<vmem>>, vector<1x16xf32>,
          %parallel_loop3A_649 = arith.constant 12288 : i32
          %parallel_loop3A_650 = arith.addi %parallel_loop3A_649, %parallel_loop3A_478 : i32
          %parallel_loop3A_651 = arith.index_cast %parallel_loop3A_650 : i32 to index
          %parallel_loop3A_652 = tpu.vector_load %arg9[%parallel_loop3A_651] {strides = array<i32>} : memref<24576xf32, #tpu.memory_space<vmem>>, vector<16xf32>,
          %parallel_loop3A_653 = vector.shape_cast %parallel_loop3A_652 : vector<16xf32> to vector<16xf32>
          %parallel_loop3A_654 = arith.constant 20480 : i32
          %parallel_loop3A_655 = arith.addi %parallel_loop3A_654, %parallel_loop3A_478 : i32
          %parallel_loop3A_656 = arith.index_cast %parallel_loop3A_655 : i32 to index
          %parallel_loop3A_657 = tpu.vector_load %arg9[%parallel_loop3A_656] {strides = array<i32>} : memref<24576xf32, #tpu.memory_space<vmem>>, vector<16xf32>,
          %parallel_loop3A_658 = vector.shape_cast %parallel_loop3A_657 : vector<16xf32> to vector<16xf32>
          %parallel_loop3A_659 = arith.mulf %parallel_loop3A_527, %parallel_loop3A_653 : vector<16xf32>
          %parallel_loop3A_660 = arith.mulf %parallel_loop3A_530, %parallel_loop3A_658 : vector<16xf32>
          %parallel_loop3A_661 = arith.addf %parallel_loop3A_659, %parallel_loop3A_660 : vector<16xf32>
          %parallel_loop3A_662 = arith.constant 4 : i32
          %parallel_loop3A_663 = arith.index_cast %parallel_loop3A_662 : i32 to index
          %parallel_loop3A_664 = arith.index_cast %parallel_loop3A_478 : i32 to index
          %parallel_loop3A_665 = tpu.vector_load %arg8[%parallel_loop3A_663, %parallel_loop3A_664] {strides = array<i32>} : memref<16x1024xf32, #tpu.memory_space<vmem>>, vector<1x16xf32>,
          %parallel_loop3A_666 = vector.shape_cast %parallel_loop3A_665 : vector<1x16xf32> to vector<16xf32>
          %parallel_loop3A_667 = vector.shape_cast %parallel_loop3A_661 : vector<16xf32> to vector<1x16xf32>
          tpu.vector_store %arg8[%parallel_loop3A_663, %parallel_loop3A_664], %parallel_loop3A_667 {strides = array<i32>} : memref<16x1024xf32, #tpu.memory_space<vmem>>, vector<1x16xf32>,
          %parallel_loop3A_668 = arith.mulf %parallel_loop3A_533, %parallel_loop3A_653 : vector<16xf32>
          %parallel_loop3A_669 = arith.mulf %parallel_loop3A_536, %parallel_loop3A_658 : vector<16xf32>
          %parallel_loop3A_670 = arith.addf %parallel_loop3A_668, %parallel_loop3A_669 : vector<16xf32>
          %parallel_loop3A_671 = arith.constant 12 : i32
          %parallel_loop3A_672 = arith.index_cast %parallel_loop3A_671 : i32 to index
          %parallel_loop3A_673 = arith.index_cast %parallel_loop3A_478 : i32 to index
          %parallel_loop3A_674 = tpu.vector_load %arg8[%parallel_loop3A_672, %parallel_loop3A_673] {strides = array<i32>} : memref<16x1024xf32, #tpu.memory_space<vmem>>, vector<1x16xf32>,
          %parallel_loop3A_675 = vector.shape_cast %parallel_loop3A_674 : vector<1x16xf32> to vector<16xf32>
          %parallel_loop3A_676 = vector.shape_cast %parallel_loop3A_670 : vector<16xf32> to vector<1x16xf32>
          tpu.vector_store %arg8[%parallel_loop3A_672, %parallel_loop3A_673], %parallel_loop3A_676 {strides = array<i32>} : memref<16x1024xf32, #tpu.memory_space<vmem>>, vector<1x16xf32>,
          %parallel_loop3A_677 = arith.constant 13312 : i32
          %parallel_loop3A_678 = arith.addi %parallel_loop3A_677, %parallel_loop3A_478 : i32
          %parallel_loop3A_679 = arith.index_cast %parallel_loop3A_678 : i32 to index
          %parallel_loop3A_680 = tpu.vector_load %arg9[%parallel_loop3A_679] {strides = array<i32>} : memref<24576xf32, #tpu.memory_space<vmem>>, vector<16xf32>,
          %parallel_loop3A_681 = vector.shape_cast %parallel_loop3A_680 : vector<16xf32> to vector<16xf32>
          %parallel_loop3A_682 = arith.constant 21504 : i32
          %parallel_loop3A_683 = arith.addi %parallel_loop3A_682, %parallel_loop3A_478 : i32
          %parallel_loop3A_684 = arith.index_cast %parallel_loop3A_683 : i32 to index
          %parallel_loop3A_685 = tpu.vector_load %arg9[%parallel_loop3A_684] {strides = array<i32>} : memref<24576xf32, #tpu.memory_space<vmem>>, vector<16xf32>,
          %parallel_loop3A_686 = vector.shape_cast %parallel_loop3A_685 : vector<16xf32> to vector<16xf32>
          %parallel_loop3A_687 = arith.mulf %parallel_loop3A_527, %parallel_loop3A_681 : vector<16xf32>
          %parallel_loop3A_688 = arith.mulf %parallel_loop3A_530, %parallel_loop3A_686 : vector<16xf32>
          %parallel_loop3A_689 = arith.addf %parallel_loop3A_687, %parallel_loop3A_688 : vector<16xf32>
          %parallel_loop3A_690 = arith.constant 5 : i32
          %parallel_loop3A_691 = arith.index_cast %parallel_loop3A_690 : i32 to index
          %parallel_loop3A_692 = arith.index_cast %parallel_loop3A_478 : i32 to index
          %parallel_loop3A_693 = tpu.vector_load %arg8[%parallel_loop3A_691, %parallel_loop3A_692] {strides = array<i32>} : memref<16x1024xf32, #tpu.memory_space<vmem>>, vector<1x16xf32>,
          %parallel_loop3A_694 = vector.shape_cast %parallel_loop3A_693 : vector<1x16xf32> to vector<16xf32>
          %parallel_loop3A_695 = vector.shape_cast %parallel_loop3A_689 : vector<16xf32> to vector<1x16xf32>
          tpu.vector_store %arg8[%parallel_loop3A_691, %parallel_loop3A_692], %parallel_loop3A_695 {strides = array<i32>} : memref<16x1024xf32, #tpu.memory_space<vmem>>, vector<1x16xf32>,
          %parallel_loop3A_696 = arith.mulf %parallel_loop3A_533, %parallel_loop3A_681 : vector<16xf32>
          %parallel_loop3A_697 = arith.mulf %parallel_loop3A_536, %parallel_loop3A_686 : vector<16xf32>
          %parallel_loop3A_698 = arith.addf %parallel_loop3A_696, %parallel_loop3A_697 : vector<16xf32>
          %parallel_loop3A_699 = arith.constant 13 : i32
          %parallel_loop3A_700 = arith.index_cast %parallel_loop3A_699 : i32 to index
          %parallel_loop3A_701 = arith.index_cast %parallel_loop3A_478 : i32 to index
          %parallel_loop3A_702 = tpu.vector_load %arg8[%parallel_loop3A_700, %parallel_loop3A_701] {strides = array<i32>} : memref<16x1024xf32, #tpu.memory_space<vmem>>, vector<1x16xf32>,
          %parallel_loop3A_703 = vector.shape_cast %parallel_loop3A_702 : vector<1x16xf32> to vector<16xf32>
          %parallel_loop3A_704 = vector.shape_cast %parallel_loop3A_698 : vector<16xf32> to vector<1x16xf32>
          tpu.vector_store %arg8[%parallel_loop3A_700, %parallel_loop3A_701], %parallel_loop3A_704 {strides = array<i32>} : memref<16x1024xf32, #tpu.memory_space<vmem>>, vector<1x16xf32>,
          %parallel_loop3A_705 = arith.constant 14336 : i32
          %parallel_loop3A_706 = arith.addi %parallel_loop3A_705, %parallel_loop3A_478 : i32
          %parallel_loop3A_707 = arith.index_cast %parallel_loop3A_706 : i32 to index
          %parallel_loop3A_708 = tpu.vector_load %arg9[%parallel_loop3A_707] {strides = array<i32>} : memref<24576xf32, #tpu.memory_space<vmem>>, vector<16xf32>,
          %parallel_loop3A_709 = vector.shape_cast %parallel_loop3A_708 : vector<16xf32> to vector<16xf32>
          %parallel_loop3A_710 = arith.constant 22528 : i32
          %parallel_loop3A_711 = arith.addi %parallel_loop3A_710, %parallel_loop3A_478 : i32
          %parallel_loop3A_712 = arith.index_cast %parallel_loop3A_711 : i32 to index
          %parallel_loop3A_713 = tpu.vector_load %arg9[%parallel_loop3A_712] {strides = array<i32>} : memref<24576xf32, #tpu.memory_space<vmem>>, vector<16xf32>,
          %parallel_loop3A_714 = vector.shape_cast %parallel_loop3A_713 : vector<16xf32> to vector<16xf32>
          %parallel_loop3A_715 = arith.mulf %parallel_loop3A_527, %parallel_loop3A_709 : vector<16xf32>
          %parallel_loop3A_716 = arith.mulf %parallel_loop3A_530, %parallel_loop3A_714 : vector<16xf32>
          %parallel_loop3A_717 = arith.addf %parallel_loop3A_715, %parallel_loop3A_716 : vector<16xf32>
          %parallel_loop3A_718 = arith.constant 6 : i32
          %parallel_loop3A_719 = arith.index_cast %parallel_loop3A_718 : i32 to index
          %parallel_loop3A_720 = arith.index_cast %parallel_loop3A_478 : i32 to index
          %parallel_loop3A_721 = tpu.vector_load %arg8[%parallel_loop3A_719, %parallel_loop3A_720] {strides = array<i32>} : memref<16x1024xf32, #tpu.memory_space<vmem>>, vector<1x16xf32>,
          %parallel_loop3A_722 = vector.shape_cast %parallel_loop3A_721 : vector<1x16xf32> to vector<16xf32>
          %parallel_loop3A_723 = vector.shape_cast %parallel_loop3A_717 : vector<16xf32> to vector<1x16xf32>
          tpu.vector_store %arg8[%parallel_loop3A_719, %parallel_loop3A_720], %parallel_loop3A_723 {strides = array<i32>} : memref<16x1024xf32, #tpu.memory_space<vmem>>, vector<1x16xf32>,
          %parallel_loop3A_724 = arith.mulf %parallel_loop3A_533, %parallel_loop3A_709 : vector<16xf32>
          %parallel_loop3A_725 = arith.mulf %parallel_loop3A_536, %parallel_loop3A_714 : vector<16xf32>
          %parallel_loop3A_726 = arith.addf %parallel_loop3A_724, %parallel_loop3A_725 : vector<16xf32>
          %parallel_loop3A_727 = arith.constant 14 : i32
          %parallel_loop3A_728 = arith.index_cast %parallel_loop3A_727 : i32 to index
          %parallel_loop3A_729 = arith.index_cast %parallel_loop3A_478 : i32 to index
          %parallel_loop3A_730 = tpu.vector_load %arg8[%parallel_loop3A_728, %parallel_loop3A_729] {strides = array<i32>} : memref<16x1024xf32, #tpu.memory_space<vmem>>, vector<1x16xf32>,
          %parallel_loop3A_731 = vector.shape_cast %parallel_loop3A_730 : vector<1x16xf32> to vector<16xf32>
          %parallel_loop3A_732 = vector.shape_cast %parallel_loop3A_726 : vector<16xf32> to vector<1x16xf32>
          tpu.vector_store %arg8[%parallel_loop3A_728, %parallel_loop3A_729], %parallel_loop3A_732 {strides = array<i32>} : memref<16x1024xf32, #tpu.memory_space<vmem>>, vector<1x16xf32>,
          %parallel_loop3A_733 = arith.constant 15360 : i32
          %parallel_loop3A_734 = arith.addi %parallel_loop3A_733, %parallel_loop3A_478 : i32
          %parallel_loop3A_735 = arith.index_cast %parallel_loop3A_734 : i32 to index
          %parallel_loop3A_736 = tpu.vector_load %arg9[%parallel_loop3A_735] {strides = array<i32>} : memref<24576xf32, #tpu.memory_space<vmem>>, vector<16xf32>,
          %parallel_loop3A_737 = vector.shape_cast %parallel_loop3A_736 : vector<16xf32> to vector<16xf32>
          %parallel_loop3A_738 = arith.constant 23552 : i32
          %parallel_loop3A_739 = arith.addi %parallel_loop3A_738, %parallel_loop3A_478 : i32
          %parallel_loop3A_740 = arith.index_cast %parallel_loop3A_739 : i32 to index
          %parallel_loop3A_741 = tpu.vector_load %arg9[%parallel_loop3A_740] {strides = array<i32>} : memref<24576xf32, #tpu.memory_space<vmem>>, vector<16xf32>,
          %parallel_loop3A_742 = vector.shape_cast %parallel_loop3A_741 : vector<16xf32> to vector<16xf32>
          %parallel_loop3A_743 = arith.mulf %parallel_loop3A_527, %parallel_loop3A_737 : vector<16xf32>
          %parallel_loop3A_744 = arith.mulf %parallel_loop3A_530, %parallel_loop3A_742 : vector<16xf32>
          %parallel_loop3A_745 = arith.addf %parallel_loop3A_743, %parallel_loop3A_744 : vector<16xf32>
          %parallel_loop3A_746 = arith.constant 7 : i32
          %parallel_loop3A_747 = arith.index_cast %parallel_loop3A_746 : i32 to index
          %parallel_loop3A_748 = arith.index_cast %parallel_loop3A_478 : i32 to index
          %parallel_loop3A_749 = tpu.vector_load %arg8[%parallel_loop3A_747, %parallel_loop3A_748] {strides = array<i32>} : memref<16x1024xf32, #tpu.memory_space<vmem>>, vector<1x16xf32>,
          %parallel_loop3A_750 = vector.shape_cast %parallel_loop3A_749 : vector<1x16xf32> to vector<16xf32>
          %parallel_loop3A_751 = vector.shape_cast %parallel_loop3A_745 : vector<16xf32> to vector<1x16xf32>
          tpu.vector_store %arg8[%parallel_loop3A_747, %parallel_loop3A_748], %parallel_loop3A_751 {strides = array<i32>} : memref<16x1024xf32, #tpu.memory_space<vmem>>, vector<1x16xf32>,
          %parallel_loop3A_752 = arith.mulf %parallel_loop3A_533, %parallel_loop3A_737 : vector<16xf32>
          %parallel_loop3A_753 = arith.mulf %parallel_loop3A_536, %parallel_loop3A_742 : vector<16xf32>
          %parallel_loop3A_754 = arith.addf %parallel_loop3A_752, %parallel_loop3A_753 : vector<16xf32>
          %parallel_loop3A_755 = arith.constant 15 : i32
          %parallel_loop3A_756 = arith.index_cast %parallel_loop3A_755 : i32 to index
          %parallel_loop3A_757 = arith.index_cast %parallel_loop3A_478 : i32 to index
          %parallel_loop3A_758 = tpu.vector_load %arg8[%parallel_loop3A_756, %parallel_loop3A_757] {strides = array<i32>} : memref<16x1024xf32, #tpu.memory_space<vmem>>, vector<1x16xf32>,
          %parallel_loop3A_759 = vector.shape_cast %parallel_loop3A_758 : vector<1x16xf32> to vector<16xf32>
          %parallel_loop3A_760 = vector.shape_cast %parallel_loop3A_754 : vector<16xf32> to vector<1x16xf32>
          tpu.vector_store %arg8[%parallel_loop3A_756, %parallel_loop3A_757], %parallel_loop3A_760 {strides = array<i32>} : memref<16x1024xf32, #tpu.memory_space<vmem>>, vector<1x16xf32>,
        } {sc.loop_unroll_factor = 1 : i64, sc.parallel_access}
        %lt3A_470 = arith.constant 2 : i32
        %lt3A_471 = arith.cmpi slt, %select_n3A_394, %lt3A_470 : i32
        %convert_element_type3A_472 = arith.extui %lt3A_471 : i1 to i32
        %cond3A_473 = arith.constant 0 : i32
        %cond3A_474 = arith.cmpi ne, %convert_element_type3A_472, %cond3A_473 : i32
        scf.if %cond3A_474 {
          %add3A_475 = arith.constant 2 : i32
          %add3A_476 = arith.addi %select_n3A_394, %add3A_475 : i32
          %mul3A_477 = arith.constant 4 : i32
          %mul3A_478 = arith.muli %add3A, %mul3A_477 : i32
          %add3A_479 = arith.addi %mul3A_478, %add3A_476 : i32
          %mul3A_480 = arith.constant 2 : i32
          %mul3A_481 = arith.muli %add3A_479, %mul3A_480 : i32
          %jit3A_482 = arith.constant 4 : i32
          %div3A_483 = arith.divsi %mul3A_481, %jit3A_482 : i32
          %sign3A_484 = arith.constant 0 : i32
          %sign3A_485 = arith.cmpi sgt, %mul3A_481, %sign3A_484 : i32
          %sign3A_486 = arith.extui %sign3A_485 : i1 to i32
          %sign3A_487 = arith.constant 0 : i32
          %sign3A_488 = arith.cmpi slt, %mul3A_481, %sign3A_487 : i32
          %sign3A_489 = arith.extui %sign3A_488 : i1 to i32
          %sign3A_490 = arith.subi %sign3A_486, %sign3A_489 : i32
          %sign3A_491 = arith.constant 0 : i32
          %sign3A_492 = arith.cmpi sgt, %jit3A_482, %sign3A_491 : i32
          %sign3A_493 = arith.extui %sign3A_492 : i1 to i32
          %sign3A_494 = arith.constant 0 : i32
          %sign3A_495 = arith.cmpi slt, %jit3A_482, %sign3A_494 : i32
          %sign3A_496 = arith.extui %sign3A_495 : i1 to i32
          %sign3A_497 = arith.subi %sign3A_493, %sign3A_496 : i32
          %ne3A_498 = arith.cmpi ne, %sign3A_490, %sign3A_497 : i32
          %rem3A_499 = arith.remsi %mul3A_481, %jit3A_482 : i32
          %ne3A_500 = arith.constant 0 : i32
          %ne3A_501 = arith.cmpi ne, %rem3A_499, %ne3A_500 : i32
          %and3A_502 = arith.andi %ne3A_498, %ne3A_501 : i1
          %sub3A_503 = arith.constant 1 : i32
          %sub3A_504 = arith.subi %div3A_483, %sub3A_503 : i32
          %select_n3A_505 = arith.select %and3A_502, %sub3A_504, %div3A_483 : i32
          %rem3A_506 = arith.constant 2 : i32
          %rem3A_507 = arith.remsi %add3A_476, %rem3A_506 : i32
          %mul3A_508 = arith.constant 1024 : i32
          %mul3A_509 = arith.muli %select_n3A_505, %mul3A_508 : i32
          %add3A_510 = arith.constant 0 : i32
          %add3A_511 = arith.addi %add3A_510, %mul3A_509 : i32
          %dma_start3A_512 = arith.constant 0 : i32
          %dma_start3A_513 = tpu.memref_slice %arg10[%rem3A_507, %dma_start3A_512] : memref<2x2048xf32, #tpu.memory_space<vmem>> -> memref<1x2048xf32, #tpu.memory_space<vmem>>
          %dma_start3A_514 = tpu.memref_squeeze %dma_start3A_513 : memref<1x2048xf32, #tpu.memory_space<vmem>> -> memref<2048xf32, #tpu.memory_space<vmem>>
          %dma_start3A_515 = arith.constant 0 : i32
          %dma_start3A_516 = tpu.memref_slice %dma_start3A_514[%dma_start3A_515] : memref<2048xf32, #tpu.memory_space<vmem>> -> memref<1024xf32, #tpu.memory_space<vmem>>
          %dma_start3A_517 = tpu.memref_slice %arg4[%add3A_511] : memref<155648xf32, #tpu.memory_space<hbm>> -> memref<1024xf32, #tpu.memory_space<hbm>>
          %dma_start3A_518 = tpu.memref_slice %arg13[%rem3A_507] : memref<2x!tpu.dma_semaphore, #tpu.memory_space<semaphore_mem>> -> memref<1x!tpu.dma_semaphore, #tpu.memory_space<semaphore_mem>>
          %dma_start3A_519 = tpu.memref_squeeze %dma_start3A_518 : memref<1x!tpu.dma_semaphore, #tpu.memory_space<semaphore_mem>> -> memref<!tpu.dma_semaphore, #tpu.memory_space<semaphore_mem>>
          %dma_start3A_520 = arith.constant 0 : i32
          %dma_start3A_521 = tpu.memref_slice %arg10[%rem3A_507, %dma_start3A_520] : memref<2x2048xf32, #tpu.memory_space<vmem>> -> memref<1x2048xf32, #tpu.memory_space<vmem>>
          %dma_start3A_522 = tpu.memref_squeeze %dma_start3A_521 : memref<1x2048xf32, #tpu.memory_space<vmem>> -> memref<2048xf32, #tpu.memory_space<vmem>>
          %dma_start3A_523 = arith.constant 0 : i32
          %dma_start3A_524 = tpu.memref_slice %dma_start3A_522[%dma_start3A_523] : memref<2048xf32, #tpu.memory_space<vmem>> -> memref<1024xf32, #tpu.memory_space<vmem>>
          %dma_start3A_525 = tpu.memref_slice %arg4[%add3A_511] : memref<155648xf32, #tpu.memory_space<hbm>> -> memref<1024xf32, #tpu.memory_space<hbm>>
          tpu.enqueue_dma source(%dma_start3A_525 : memref<1024xf32, #tpu.memory_space<hbm>>) target(%dma_start3A_524 : memref<1024xf32, #tpu.memory_space<vmem>>) target_semaphore(%dma_start3A_519 : memref<!tpu.dma_semaphore, #tpu.memory_space<semaphore_mem>>)
          %mul3A_526 = arith.constant 1024 : i32
          %mul3A_527 = arith.muli %select_n3A_505, %mul3A_526 : i32
          %add3A_528 = arith.constant 65536 : i32
          %add3A_529 = arith.addi %add3A_528, %mul3A_527 : i32
          %dma_start3A_530 = arith.constant 0 : i32
          %dma_start3A_531 = tpu.memref_slice %arg10[%rem3A_507, %dma_start3A_530] : memref<2x2048xf32, #tpu.memory_space<vmem>> -> memref<1x2048xf32, #tpu.memory_space<vmem>>
          %dma_start3A_532 = tpu.memref_squeeze %dma_start3A_531 : memref<1x2048xf32, #tpu.memory_space<vmem>> -> memref<2048xf32, #tpu.memory_space<vmem>>
          %dma_start3A_533 = arith.constant 1024 : i32
          %dma_start3A_534 = tpu.memref_slice %dma_start3A_532[%dma_start3A_533] : memref<2048xf32, #tpu.memory_space<vmem>> -> memref<1024xf32, #tpu.memory_space<vmem>>
          %dma_start3A_535 = tpu.memref_slice %arg4[%add3A_529] : memref<155648xf32, #tpu.memory_space<hbm>> -> memref<1024xf32, #tpu.memory_space<hbm>>
          %dma_start3A_536 = tpu.memref_slice %arg13[%rem3A_507] : memref<2x!tpu.dma_semaphore, #tpu.memory_space<semaphore_mem>> -> memref<1x!tpu.dma_semaphore, #tpu.memory_space<semaphore_mem>>
          %dma_start3A_537 = tpu.memref_squeeze %dma_start3A_536 : memref<1x!tpu.dma_semaphore, #tpu.memory_space<semaphore_mem>> -> memref<!tpu.dma_semaphore, #tpu.memory_space<semaphore_mem>>
          %dma_start3A_538 = arith.constant 0 : i32
          %dma_start3A_539 = tpu.memref_slice %arg10[%rem3A_507, %dma_start3A_538] : memref<2x2048xf32, #tpu.memory_space<vmem>> -> memref<1x2048xf32, #tpu.memory_space<vmem>>
          %dma_start3A_540 = tpu.memref_squeeze %dma_start3A_539 : memref<1x2048xf32, #tpu.memory_space<vmem>> -> memref<2048xf32, #tpu.memory_space<vmem>>
          %dma_start3A_541 = arith.constant 1024 : i32
          %dma_start3A_542 = tpu.memref_slice %dma_start3A_540[%dma_start3A_541] : memref<2048xf32, #tpu.memory_space<vmem>> -> memref<1024xf32, #tpu.memory_space<vmem>>
          %dma_start3A_543 = tpu.memref_slice %arg4[%add3A_529] : memref<155648xf32, #tpu.memory_space<hbm>> -> memref<1024xf32, #tpu.memory_space<hbm>>
          tpu.enqueue_dma source(%dma_start3A_543 : memref<1024xf32, #tpu.memory_space<hbm>>) target(%dma_start3A_542 : memref<1024xf32, #tpu.memory_space<vmem>>) target_semaphore(%dma_start3A_537 : memref<!tpu.dma_semaphore, #tpu.memory_space<semaphore_mem>>)
        } else {
        }
      } else {
      }
      %dma_wait3A_407 = arith.constant 0 : i32
      %dma_wait3A_408 = arith.constant 0 : i32
      %dma_wait3A_409 = tpu.memref_slice %arg7[%rem3A_370, %dma_wait3A_407, %dma_wait3A_408] : memref<5x16x1024xf32, #tpu.memory_space<vmem>> -> memref<1x16x1024xf32, #tpu.memory_space<vmem>>
      %dma_wait3A_410 = tpu.memref_squeeze %dma_wait3A_409 : memref<1x16x1024xf32, #tpu.memory_space<vmem>> -> memref<16x1024xf32, #tpu.memory_space<vmem>>
      %dma_wait3A_411 = arith.constant 0 : i32
      %dma_wait3A_412 = arith.constant 0 : i32
      %dma_wait3A_413 = tpu.memref_slice %arg2[%dma_wait3A_411, %dma_wait3A_412] : memref<100000x1024xf32, #tpu.memory_space<hbm>> -> memref<16x1024xf32, #tpu.memory_space<hbm>>
      %dma_wait3A_414 = tpu.memref_slice %arg11[%rem3A_370] : memref<5x!tpu.dma_semaphore, #tpu.memory_space<semaphore_mem>> -> memref<1x!tpu.dma_semaphore, #tpu.memory_space<semaphore_mem>>
      %dma_wait3A_415 = tpu.memref_squeeze %dma_wait3A_414 : memref<1x!tpu.dma_semaphore, #tpu.memory_space<semaphore_mem>> -> memref<!tpu.dma_semaphore, #tpu.memory_space<semaphore_mem>>
      %dma_wait3A_416 = arith.constant 0 : i32
      %dma_wait3A_417 = arith.constant 0 : i32
      %dma_wait3A_418 = tpu.memref_slice %arg7[%rem3A_370, %dma_wait3A_416, %dma_wait3A_417] : memref<5x16x1024xf32, #tpu.memory_space<vmem>> -> memref<1x16x1024xf32, #tpu.memory_space<vmem>>
      %dma_wait3A_419 = tpu.memref_squeeze %dma_wait3A_418 : memref<1x16x1024xf32, #tpu.memory_space<vmem>> -> memref<16x1024xf32, #tpu.memory_space<vmem>>
      %dma_wait3A_420 = arith.constant 0 : i32
      %dma_wait3A_421 = arith.constant 0 : i32
      %dma_wait3A_422 = tpu.memref_slice %arg2[%dma_wait3A_420, %dma_wait3A_421] : memref<100000x1024xf32, #tpu.memory_space<hbm>> -> memref<16x1024xf32, #tpu.memory_space<hbm>>
      tpu.wait_dma2 semaphore(%dma_wait3A_415 : memref<!tpu.dma_semaphore, #tpu.memory_space<semaphore_mem>>) src(%dma_wait3A_422 : memref<16x1024xf32, #tpu.memory_space<hbm>>) dst(%dma_wait3A_419 : memref<16x1024xf32, #tpu.memory_space<vmem>>)
      %parallel_loop3A = arith.constant 0 : i32
      %parallel_loop3A_423 = arith.constant 1024 : i32
      %parallel_loop3A_424 = arith.constant 1 : i32
      scf.for %parallel_loop3A_446 = %parallel_loop3A to %parallel_loop3A_423 step %parallel_loop3A_424  : i32 {
        %parallel_loop3A_447 = arith.constant 6 : i32
        %parallel_loop3A_448 = arith.shrsi %parallel_loop3A_446, %parallel_loop3A_447 : i32
        %parallel_loop3A_449 = arith.constant 63 : i32
        %parallel_loop3A_450 = arith.andi %parallel_loop3A_446, %parallel_loop3A_449 : i32
        %parallel_loop3A_451 = arith.constant 4 : i32
        %parallel_loop3A_452 = arith.shli %parallel_loop3A_450, %parallel_loop3A_451 : i32
        %parallel_loop3A_453 = tpu.assume_multiple %parallel_loop3A_452, 16 : i32
        %parallel_loop3A_454 = arith.constant 0 : i32
        %parallel_loop3A_455 = arith.constant 0 : i32
        %parallel_loop3A_456 = tpu.memref_slice %arg7[%rem3A_370, %parallel_loop3A_454, %parallel_loop3A_455] : memref<5x16x1024xf32, #tpu.memory_space<vmem>> -> memref<1x16x1024xf32, #tpu.memory_space<vmem>>
        %parallel_loop3A_457 = tpu.memref_squeeze %parallel_loop3A_456 : memref<1x16x1024xf32, #tpu.memory_space<vmem>> -> memref<16x1024xf32, #tpu.memory_space<vmem>>
        %parallel_loop3A_458 = arith.index_cast %parallel_loop3A_448 : i32 to index
        %parallel_loop3A_459 = arith.index_cast %parallel_loop3A_453 : i32 to index
        %parallel_loop3A_460 = tpu.vector_load %parallel_loop3A_457[%parallel_loop3A_458, %parallel_loop3A_459] {strides = array<i32>} : memref<16x1024xf32, #tpu.memory_space<vmem>>, vector<1x16xf32>,
        %parallel_loop3A_461 = vector.shape_cast %parallel_loop3A_460 : vector<1x16xf32> to vector<16xf32>
        %parallel_loop3A_462 = arith.index_cast %parallel_loop3A_448 : i32 to index
        %parallel_loop3A_463 = arith.index_cast %parallel_loop3A_453 : i32 to index
        %parallel_loop3A_464 = tpu.vector_load %arg8[%parallel_loop3A_462, %parallel_loop3A_463] {strides = array<i32>} : memref<16x1024xf32, #tpu.memory_space<vmem>>, vector<1x16xf32>,
        %parallel_loop3A_465 = vector.shape_cast %parallel_loop3A_464 : vector<1x16xf32> to vector<16xf32>
        %parallel_loop3A_466 = arith.addf %parallel_loop3A_461, %parallel_loop3A_465 : vector<16xf32>
        %parallel_loop3A_467 = arith.constant 0 : i32
        %parallel_loop3A_468 = arith.constant 0 : i32
        %parallel_loop3A_469 = tpu.memref_slice %arg7[%rem3A_370, %parallel_loop3A_467, %parallel_loop3A_468] : memref<5x16x1024xf32, #tpu.memory_space<vmem>> -> memref<1x16x1024xf32, #tpu.memory_space<vmem>>
        %parallel_loop3A_470 = tpu.memref_squeeze %parallel_loop3A_469 : memref<1x16x1024xf32, #tpu.memory_space<vmem>> -> memref<16x1024xf32, #tpu.memory_space<vmem>>
        %parallel_loop3A_471 = arith.index_cast %parallel_loop3A_448 : i32 to index
        %parallel_loop3A_472 = arith.index_cast %parallel_loop3A_453 : i32 to index
        %parallel_loop3A_473 = tpu.vector_load %parallel_loop3A_470[%parallel_loop3A_471, %parallel_loop3A_472] {strides = array<i32>} : memref<16x1024xf32, #tpu.memory_space<vmem>>, vector<1x16xf32>,
        %parallel_loop3A_474 = vector.shape_cast %parallel_loop3A_473 : vector<1x16xf32> to vector<16xf32>
        %parallel_loop3A_475 = vector.shape_cast %parallel_loop3A_466 : vector<16xf32> to vector<1x16xf32>
        tpu.vector_store %parallel_loop3A_470[%parallel_loop3A_471, %parallel_loop3A_472], %parallel_loop3A_475 {strides = array<i32>} : memref<16x1024xf32, #tpu.memory_space<vmem>>, vector<1x16xf32>,
      } {sc.loop_unroll_factor = 8 : i64, sc.parallel_access}
      %mul3A_425 = arith.constant 2048 : i32
      %mul3A_426 = arith.muli %rem3A_396, %mul3A_425 : i32
      %add3A_427 = arith.addi %mul3A_426, %mul3A_2 : i32
      %mul3A_428 = arith.constant 16 : i32
      %mul3A_429 = arith.muli %select_n3A_394, %mul3A_428 : i32
      %add3A_430 = arith.addi %add3A_427, %mul3A_429 : i32
      %dma_start3A_431 = arith.constant 0 : i32
      %dma_start3A_432 = arith.constant 0 : i32
      %dma_start3A_433 = tpu.memref_slice %arg7[%rem3A_370, %dma_start3A_431, %dma_start3A_432] : memref<5x16x1024xf32, #tpu.memory_space<vmem>> -> memref<1x16x1024xf32, #tpu.memory_space<vmem>>
      %dma_start3A_434 = tpu.memref_squeeze %dma_start3A_433 : memref<1x16x1024xf32, #tpu.memory_space<vmem>> -> memref<16x1024xf32, #tpu.memory_space<vmem>>
      %dma_start3A_435 = arith.constant 0 : i32
      %dma_start3A_436 = tpu.memref_slice %arg5[%add3A_430, %dma_start3A_435] : memref<8192x1024xf32, #tpu.memory_space<hbm>> -> memref<16x1024xf32, #tpu.memory_space<hbm>>
      %dma_start3A_437 = tpu.memref_slice %arg12[%rem3A_370] : memref<5x!tpu.dma_semaphore, #tpu.memory_space<semaphore_mem>> -> memref<1x!tpu.dma_semaphore, #tpu.memory_space<semaphore_mem>>
      %dma_start3A_438 = tpu.memref_squeeze %dma_start3A_437 : memref<1x!tpu.dma_semaphore, #tpu.memory_space<semaphore_mem>> -> memref<!tpu.dma_semaphore, #tpu.memory_space<semaphore_mem>>
      %dma_start3A_439 = arith.constant 0 : i32
      %dma_start3A_440 = tpu.memref_slice %arg5[%add3A_430, %dma_start3A_439] : memref<8192x1024xf32, #tpu.memory_space<hbm>> -> memref<16x1024xf32, #tpu.memory_space<hbm>>
      %dma_start3A_441 = arith.constant 0 : i32
      %dma_start3A_442 = arith.constant 0 : i32
      %dma_start3A_443 = tpu.memref_slice %arg7[%rem3A_370, %dma_start3A_441, %dma_start3A_442] : memref<5x16x1024xf32, #tpu.memory_space<vmem>> -> memref<1x16x1024xf32, #tpu.memory_space<vmem>>
      %dma_start3A_444 = tpu.memref_squeeze %dma_start3A_443 : memref<1x16x1024xf32, #tpu.memory_space<vmem>> -> memref<16x1024xf32, #tpu.memory_space<vmem>>
      tpu.enqueue_dma source(%dma_start3A_444 : memref<16x1024xf32, #tpu.memory_space<vmem>>) target(%dma_start3A_440 : memref<16x1024xf32, #tpu.memory_space<hbm>>) target_semaphore(%dma_start3A_438 : memref<!tpu.dma_semaphore, #tpu.memory_space<semaphore_mem>>)
      %scan3A_445 = arith.constant 0 : i32
      scf.yield %scan3A_445 : i32
    }
    %scan3A_276 = arith.constant 16 : i32
    %dma_wait3A_277 = arith.constant 1 : i32
    %dma_wait3A_278 = arith.constant 1 : i32
    %dma_wait3A_279 = arith.constant 0 : i32
    %dma_wait3A_280 = arith.constant 0 : i32
    %dma_wait3A_281 = tpu.memref_slice %arg7[%dma_wait3A_277, %dma_wait3A_279, %dma_wait3A_280] : memref<5x16x1024xf32, #tpu.memory_space<vmem>> -> memref<1x16x1024xf32, #tpu.memory_space<vmem>>
    %dma_wait3A_282 = tpu.memref_squeeze %dma_wait3A_281 : memref<1x16x1024xf32, #tpu.memory_space<vmem>> -> memref<16x1024xf32, #tpu.memory_space<vmem>>
    %dma_wait3A_283 = arith.constant 0 : i32
    %dma_wait3A_284 = arith.constant 0 : i32
    %dma_wait3A_285 = tpu.memref_slice %arg2[%dma_wait3A_283, %dma_wait3A_284] : memref<100000x1024xf32, #tpu.memory_space<hbm>> -> memref<16x1024xf32, #tpu.memory_space<hbm>>
    %dma_wait3A_286 = tpu.memref_slice %arg12[%dma_wait3A_278] : memref<5x!tpu.dma_semaphore, #tpu.memory_space<semaphore_mem>> -> memref<1x!tpu.dma_semaphore, #tpu.memory_space<semaphore_mem>>
    %dma_wait3A_287 = tpu.memref_squeeze %dma_wait3A_286 : memref<1x!tpu.dma_semaphore, #tpu.memory_space<semaphore_mem>> -> memref<!tpu.dma_semaphore, #tpu.memory_space<semaphore_mem>>
    %dma_wait3A_288 = arith.constant 0 : i32
    %dma_wait3A_289 = arith.constant 0 : i32
    %dma_wait3A_290 = tpu.memref_slice %arg7[%dma_wait3A_277, %dma_wait3A_288, %dma_wait3A_289] : memref<5x16x1024xf32, #tpu.memory_space<vmem>> -> memref<1x16x1024xf32, #tpu.memory_space<vmem>>
    %dma_wait3A_291 = tpu.memref_squeeze %dma_wait3A_290 : memref<1x16x1024xf32, #tpu.memory_space<vmem>> -> memref<16x1024xf32, #tpu.memory_space<vmem>>
    %dma_wait3A_292 = arith.constant 0 : i32
    %dma_wait3A_293 = arith.constant 0 : i32
    %dma_wait3A_294 = tpu.memref_slice %arg2[%dma_wait3A_292, %dma_wait3A_293] : memref<100000x1024xf32, #tpu.memory_space<hbm>> -> memref<16x1024xf32, #tpu.memory_space<hbm>>
    tpu.wait_dma2 semaphore(%dma_wait3A_287 : memref<!tpu.dma_semaphore, #tpu.memory_space<semaphore_mem>>) src(%dma_wait3A_294 : memref<16x1024xf32, #tpu.memory_space<hbm>>) dst(%dma_wait3A_291 : memref<16x1024xf32, #tpu.memory_space<vmem>>)
    %dma_wait3A_295 = arith.constant 2 : i32
    %dma_wait3A_296 = arith.constant 2 : i32
    %dma_wait3A_297 = arith.constant 0 : i32
    %dma_wait3A_298 = arith.constant 0 : i32
    %dma_wait3A_299 = tpu.memref_slice %arg7[%dma_wait3A_295, %dma_wait3A_297, %dma_wait3A_298] : memref<5x16x1024xf32, #tpu.memory_space<vmem>> -> memref<1x16x1024xf32, #tpu.memory_space<vmem>>
    %dma_wait3A_300 = tpu.memref_squeeze %dma_wait3A_299 : memref<1x16x1024xf32, #tpu.memory_space<vmem>> -> memref<16x1024xf32, #tpu.memory_space<vmem>>
    %dma_wait3A_301 = arith.constant 0 : i32
    %dma_wait3A_302 = arith.constant 0 : i32
    %dma_wait3A_303 = tpu.memref_slice %arg2[%dma_wait3A_301, %dma_wait3A_302] : memref<100000x1024xf32, #tpu.memory_space<hbm>> -> memref<16x1024xf32, #tpu.memory_space<hbm>>
    %dma_wait3A_304 = tpu.memref_slice %arg12[%dma_wait3A_296] : memref<5x!tpu.dma_semaphore, #tpu.memory_space<semaphore_mem>> -> memref<1x!tpu.dma_semaphore, #tpu.memory_space<semaphore_mem>>
    %dma_wait3A_305 = tpu.memref_squeeze %dma_wait3A_304 : memref<1x!tpu.dma_semaphore, #tpu.memory_space<semaphore_mem>> -> memref<!tpu.dma_semaphore, #tpu.memory_space<semaphore_mem>>
    %dma_wait3A_306 = arith.constant 0 : i32
    %dma_wait3A_307 = arith.constant 0 : i32
    %dma_wait3A_308 = tpu.memref_slice %arg7[%dma_wait3A_295, %dma_wait3A_306, %dma_wait3A_307] : memref<5x16x1024xf32, #tpu.memory_space<vmem>> -> memref<1x16x1024xf32, #tpu.memory_space<vmem>>
    %dma_wait3A_309 = tpu.memref_squeeze %dma_wait3A_308 : memref<1x16x1024xf32, #tpu.memory_space<vmem>> -> memref<16x1024xf32, #tpu.memory_space<vmem>>
    %dma_wait3A_310 = arith.constant 0 : i32
    %dma_wait3A_311 = arith.constant 0 : i32
    %dma_wait3A_312 = tpu.memref_slice %arg2[%dma_wait3A_310, %dma_wait3A_311] : memref<100000x1024xf32, #tpu.memory_space<hbm>> -> memref<16x1024xf32, #tpu.memory_space<hbm>>
    tpu.wait_dma2 semaphore(%dma_wait3A_305 : memref<!tpu.dma_semaphore, #tpu.memory_space<semaphore_mem>>) src(%dma_wait3A_312 : memref<16x1024xf32, #tpu.memory_space<hbm>>) dst(%dma_wait3A_309 : memref<16x1024xf32, #tpu.memory_space<vmem>>)
    %dma_wait3A_313 = arith.constant 3 : i32
    %dma_wait3A_314 = arith.constant 3 : i32
    %dma_wait3A_315 = arith.constant 0 : i32
    %dma_wait3A_316 = arith.constant 0 : i32
    %dma_wait3A_317 = tpu.memref_slice %arg7[%dma_wait3A_313, %dma_wait3A_315, %dma_wait3A_316] : memref<5x16x1024xf32, #tpu.memory_space<vmem>> -> memref<1x16x1024xf32, #tpu.memory_space<vmem>>
    %dma_wait3A_318 = tpu.memref_squeeze %dma_wait3A_317 : memref<1x16x1024xf32, #tpu.memory_space<vmem>> -> memref<16x1024xf32, #tpu.memory_space<vmem>>
    %dma_wait3A_319 = arith.constant 0 : i32
    %dma_wait3A_320 = arith.constant 0 : i32
    %dma_wait3A_321 = tpu.memref_slice %arg2[%dma_wait3A_319, %dma_wait3A_320] : memref<100000x1024xf32, #tpu.memory_space<hbm>> -> memref<16x1024xf32, #tpu.memory_space<hbm>>
    %dma_wait3A_322 = tpu.memref_slice %arg12[%dma_wait3A_314] : memref<5x!tpu.dma_semaphore, #tpu.memory_space<semaphore_mem>> -> memref<1x!tpu.dma_semaphore, #tpu.memory_space<semaphore_mem>>
    %dma_wait3A_323 = tpu.memref_squeeze %dma_wait3A_322 : memref<1x!tpu.dma_semaphore, #tpu.memory_space<semaphore_mem>> -> memref<!tpu.dma_semaphore, #tpu.memory_space<semaphore_mem>>
    %dma_wait3A_324 = arith.constant 0 : i32
    %dma_wait3A_325 = arith.constant 0 : i32
    %dma_wait3A_326 = tpu.memref_slice %arg7[%dma_wait3A_313, %dma_wait3A_324, %dma_wait3A_325] : memref<5x16x1024xf32, #tpu.memory_space<vmem>> -> memref<1x16x1024xf32, #tpu.memory_space<vmem>>
    %dma_wait3A_327 = tpu.memref_squeeze %dma_wait3A_326 : memref<1x16x1024xf32, #tpu.memory_space<vmem>> -> memref<16x1024xf32, #tpu.memory_space<vmem>>
    %dma_wait3A_328 = arith.constant 0 : i32
    %dma_wait3A_329 = arith.constant 0 : i32
    %dma_wait3A_330 = tpu.memref_slice %arg2[%dma_wait3A_328, %dma_wait3A_329] : memref<100000x1024xf32, #tpu.memory_space<hbm>> -> memref<16x1024xf32, #tpu.memory_space<hbm>>
    tpu.wait_dma2 semaphore(%dma_wait3A_323 : memref<!tpu.dma_semaphore, #tpu.memory_space<semaphore_mem>>) src(%dma_wait3A_330 : memref<16x1024xf32, #tpu.memory_space<hbm>>) dst(%dma_wait3A_327 : memref<16x1024xf32, #tpu.memory_space<vmem>>)
    %dma_wait3A_331 = arith.constant 4 : i32
    %dma_wait3A_332 = arith.constant 4 : i32
    %dma_wait3A_333 = arith.constant 0 : i32
    %dma_wait3A_334 = arith.constant 0 : i32
    %dma_wait3A_335 = tpu.memref_slice %arg7[%dma_wait3A_331, %dma_wait3A_333, %dma_wait3A_334] : memref<5x16x1024xf32, #tpu.memory_space<vmem>> -> memref<1x16x1024xf32, #tpu.memory_space<vmem>>
    %dma_wait3A_336 = tpu.memref_squeeze %dma_wait3A_335 : memref<1x16x1024xf32, #tpu.memory_space<vmem>> -> memref<16x1024xf32, #tpu.memory_space<vmem>>
    %dma_wait3A_337 = arith.constant 0 : i32
    %dma_wait3A_338 = arith.constant 0 : i32
    %dma_wait3A_339 = tpu.memref_slice %arg2[%dma_wait3A_337, %dma_wait3A_338] : memref<100000x1024xf32, #tpu.memory_space<hbm>> -> memref<16x1024xf32, #tpu.memory_space<hbm>>
    %dma_wait3A_340 = tpu.memref_slice %arg12[%dma_wait3A_332] : memref<5x!tpu.dma_semaphore, #tpu.memory_space<semaphore_mem>> -> memref<1x!tpu.dma_semaphore, #tpu.memory_space<semaphore_mem>>
    %dma_wait3A_341 = tpu.memref_squeeze %dma_wait3A_340 : memref<1x!tpu.dma_semaphore, #tpu.memory_space<semaphore_mem>> -> memref<!tpu.dma_semaphore, #tpu.memory_space<semaphore_mem>>
    %dma_wait3A_342 = arith.constant 0 : i32
    %dma_wait3A_343 = arith.constant 0 : i32
    %dma_wait3A_344 = tpu.memref_slice %arg7[%dma_wait3A_331, %dma_wait3A_342, %dma_wait3A_343] : memref<5x16x1024xf32, #tpu.memory_space<vmem>> -> memref<1x16x1024xf32, #tpu.memory_space<vmem>>
    %dma_wait3A_345 = tpu.memref_squeeze %dma_wait3A_344 : memref<1x16x1024xf32, #tpu.memory_space<vmem>> -> memref<16x1024xf32, #tpu.memory_space<vmem>>
    %dma_wait3A_346 = arith.constant 0 : i32
    %dma_wait3A_347 = arith.constant 0 : i32
    %dma_wait3A_348 = tpu.memref_slice %arg2[%dma_wait3A_346, %dma_wait3A_347] : memref<100000x1024xf32, #tpu.memory_space<hbm>> -> memref<16x1024xf32, #tpu.memory_space<hbm>>
    tpu.wait_dma2 semaphore(%dma_wait3A_341 : memref<!tpu.dma_semaphore, #tpu.memory_space<semaphore_mem>>) src(%dma_wait3A_348 : memref<16x1024xf32, #tpu.memory_space<hbm>>) dst(%dma_wait3A_345 : memref<16x1024xf32, #tpu.memory_space<vmem>>)
    %dma_wait3A_349 = arith.constant 0 : i32
    %dma_wait3A_350 = arith.constant 0 : i32
    %dma_wait3A_351 = arith.constant 0 : i32
    %dma_wait3A_352 = arith.constant 0 : i32
    %dma_wait3A_353 = tpu.memref_slice %arg7[%dma_wait3A_349, %dma_wait3A_351, %dma_wait3A_352] : memref<5x16x1024xf32, #tpu.memory_space<vmem>> -> memref<1x16x1024xf32, #tpu.memory_space<vmem>>
    %dma_wait3A_354 = tpu.memref_squeeze %dma_wait3A_353 : memref<1x16x1024xf32, #tpu.memory_space<vmem>> -> memref<16x1024xf32, #tpu.memory_space<vmem>>
    %dma_wait3A_355 = arith.constant 0 : i32
    %dma_wait3A_356 = arith.constant 0 : i32
    %dma_wait3A_357 = tpu.memref_slice %arg2[%dma_wait3A_355, %dma_wait3A_356] : memref<100000x1024xf32, #tpu.memory_space<hbm>> -> memref<16x1024xf32, #tpu.memory_space<hbm>>
    %dma_wait3A_358 = tpu.memref_slice %arg12[%dma_wait3A_350] : memref<5x!tpu.dma_semaphore, #tpu.memory_space<semaphore_mem>> -> memref<1x!tpu.dma_semaphore, #tpu.memory_space<semaphore_mem>>
    %dma_wait3A_359 = tpu.memref_squeeze %dma_wait3A_358 : memref<1x!tpu.dma_semaphore, #tpu.memory_space<semaphore_mem>> -> memref<!tpu.dma_semaphore, #tpu.memory_space<semaphore_mem>>
    %dma_wait3A_360 = arith.constant 0 : i32
    %dma_wait3A_361 = arith.constant 0 : i32
    %dma_wait3A_362 = tpu.memref_slice %arg7[%dma_wait3A_349, %dma_wait3A_360, %dma_wait3A_361] : memref<5x16x1024xf32, #tpu.memory_space<vmem>> -> memref<1x16x1024xf32, #tpu.memory_space<vmem>>
    %dma_wait3A_363 = tpu.memref_squeeze %dma_wait3A_362 : memref<1x16x1024xf32, #tpu.memory_space<vmem>> -> memref<16x1024xf32, #tpu.memory_space<vmem>>
    %dma_wait3A_364 = arith.constant 0 : i32
    %dma_wait3A_365 = arith.constant 0 : i32
    %dma_wait3A_366 = tpu.memref_slice %arg2[%dma_wait3A_364, %dma_wait3A_365] : memref<100000x1024xf32, #tpu.memory_space<hbm>> -> memref<16x1024xf32, #tpu.memory_space<hbm>>
    tpu.wait_dma2 semaphore(%dma_wait3A_359 : memref<!tpu.dma_semaphore, #tpu.memory_space<semaphore_mem>>) src(%dma_wait3A_366 : memref<16x1024xf32, #tpu.memory_space<hbm>>) dst(%dma_wait3A_363 : memref<16x1024xf32, #tpu.memory_space<vmem>>)
    return
  }
}

</mosaic_0001>

<sc_bundles>
// kernel: _embed.3.cloned.1.call-start
scs
__scs_entry_jumppad:
0x0: {  	(pc) =	sbr.rel $0x88, $3  }
0x1: {  	(tag) =	ssettag $0x0;
	lr =	simm.s32 $0x1  }
0x2: {  	[smem:$0x3F9E] =	sst lr;
	_ =	strace $0xD0000000  }
0x3: {  	_ = 	snop  }
0x4: {  	_ = 	snop  }
0x5: {  	_ = 	snop  }
0x6: {  	_ = 	snop  }
0x7: {  	_ = 	snop  }
__scs_overlays_trampoline_lowered:
0x8: {  	[smem:$0x3FAD] =	sst s0  }
0x9: {  	[smem:$0x3FAE] =	sst s1  }
0xa: {  	[smem:$0x3FAF] =	sst s2  }
0xb: {  	[smem:$0x3FB0] =	sst s3  }
0xc: {  	[smem:$0x3FB1] =	sst s4  }
0xd: {  	[smem:$0x3FB2] =	sst s5  }
0xe: {  	[smem:$0x3FB3] =	sst s6  }
0xf: {  	[smem:$0x3FB4] =	sst s7  }
0x10: {  	[smem:$0x3FB5] =	sst s8  }
0x11: {  	[smem:$0x3FB6] =	sst s9;
	s0 =	simm.s32 @!p0 $0x0  }
0x12: {  	s1 =	sld [smem:$0x3F9C];
	s0 =	simm.s32 @p0 $0x1  }
0x13: {  	[smem:$0x3FB7] =	sst s0;
	s0 =	simm.s32 @!p1 $0x0  }
0x14: {  	s2 =	sld [smem:$0x3F9B];
	s0 =	simm.s32 @p1 $0x1  }
0x15: {  	[smem:$0x3FB8] =	sst s0;
	s0 =	simm.s32 @!p2 $0x0  }
0x16: {  	s3 =	sld [smem:$0x3FDB];
	s0 =	simm.s32 @p2 $0x1  }
0x17: {  	s4 =	simm.s32 $0x1BF5;
	[smem:$0x3FBA] =	sst s0  }
0x18: {  	s0 =	sld [smem:$0x3F9D];
	_ =	swait.ge [sflag:s4], $0x0  }
0x19: {  	s7 =	sld [smem:$0x3F9E]  }
0x1a: {  	s8 =	sadd.s32 $0xFFFFE003, lr  }
0x1b: {  	s9 =	sadd.s32 $0xFFFFFEF7, lr;
	s5 =	simm.s32 $0xFFFFFFFF;
	p2 =	slt.u32 s8, $0xFFFFF086  }
0x1c: {  	p1 =	slt.u32 s9, $0xF7A;
	s5 =	simm.s32 @!p2 $0x0  }
0x1d: {  	s5 =	simm.s32 @p1 $0x1;
	p0 =	seq.s32 s7, s2  }
0x1e: {  	s7 =	smul.u32 @!p0 $0xF7A, s2;
	p2 =	seq.s32 @!p0 s5, $0x0  }
0x1f: {  	s9 =	smul.u32 $0xF7A, s1;
	s8 =	simm.s32 @!p0 $0x1BF5;
	p2 =	por !p2, p0  }
0x20: {  	[sflag:s8] =	ssyncset.s32 @!p0 $0xFFFFF086;
	s6 =	sadd.s32 @!p0 s3, s7;
	s7 =	simm.s32 @!p0 $0x108  }
0x21: {  	s3 =	sadd.s32 s3, s9;
	s6 =	sadd.s32 @!p0 $0x88, s6;
	s7 =	simm.s32 @p2 $0x1082  }
0x22: {  	[simem:s7], [sflag:s8] =	dma.local @!p0 [hbm:s6], $0xF7A  }
0x23: {  	s9 =	sor.u32 $0xD0000000, s2;
	s6 =	simm.s32 $0x108;
	_ =	swait.ge @!p0 [sflag:s8], $0x0  }
0x24: {  	s3 =	sadd.s32 $0x88, s3;
	s6 =	simm.s32 @!p1 $0x1082;
	[sflag:s4] =	ssyncset.s32 $0xFFFFF086  }
0x25: {  	[simem:s6], [sflag:s4] =	dma.local [hbm:s3], $0xF7A  }
0x26: {  	[smem:$0x3F9E] =	sst s1;
	(tag) =	ssettag s2;
	_ =	strace s9  }
0x27: {  	s1 =	sld [smem:$0x3FAE]  }
0x28: {  	s2 =	sld [smem:$0x3FAF]  }
0x29: {  	s4 =	sld [smem:$0x3FB1]  }
0x2a: {  	p0 =	seq.s32 s5, $0x0;
	s5 =	sld [smem:$0x3FB2]  }
0x2b: {  	s6 =	sld [smem:$0x3FB3]  }
0x2c: {  	s7 =	sld [smem:$0x3FB4]  }
0x2d: {  	s3 =	simm.s32 $0x108;
	s8 =	sld [smem:$0x3FB5]  }
0x2e: {  	s3 =	simm.s32 @!p0 $0x1082;
	s9 =	sld [smem:$0x3FB6]  }
0x2f: {  	lr =	sadd.s32 s0, s3;
	s0 =	sld [smem:$0x3FAD]  }
0x30: {  	s3 =	sld [smem:$0x3FB0]  }
0x31: {  	[smem:$0x3FB9] =	sst s10  }
0x32: {  	s10 =	sld [smem:$0x3FB7];
	_ =	sdelay $0x3  }
0x33: {  	p0 =	seq.s32 s10, $0x1;
	s10 =	sld [smem:$0x3FB9];
	_ =	sdelay $0x3  }
0x34: {  	[smem:$0x3FB9] =	sst s10  }
0x35: {  	s10 =	sld [smem:$0x3FB8];
	_ =	sdelay $0x3  }
0x36: {  	p1 =	seq.s32 s10, $0x1;
	s10 =	sld [smem:$0x3FB9];
	_ =	sdelay $0x3  }
0x37: {  	[smem:$0x3FB9] =	sst s10  }
0x38: {  	s10 =	sld [smem:$0x3FBA]  }
0x39: {  	_ = 	snop;
	(pc) =	sbr.ind lr, $3  }
0x3a: {  	_ = 	snop  }
0x3b: {  	_ = 	snop  }
0x3c: {  	p2 =	seq.s32 s10, $0x1;
	s10 =	sld [smem:$0x3FB9]  }
0x3d: {  	_ =	shalt  }
0x3e: {  	_ =	shalt  }
0x3f: {  	_ =	shalt  }
0x40: {  	_ =	shalt  }
0x41: {  	_ =	shalt  }
0x42: {  	_ =	shalt  }
0x43: {  	_ =	shalt  }
0x44: {  	_ =	shalt  }
0x45: {  	_ =	shalt  }
0x46: {  	_ =	shalt  }
0x47: {  	_ =	shalt  }
0x48: {  	_ =	shalt  }
0x49: {  	_ =	shalt  }
0x4a: {  	_ =	shalt  }
0x4b: {  	_ =	shalt  }
0x4c: {  	_ =	shalt  }
0x4d: {  	_ =	shalt  }
0x4e: {  	_ =	shalt  }
0x4f: {  	_ =	shalt  }
0x50: {  	_ =	shalt  }
0x51: {  	_ =	shalt  }
0x52: {  	_ =	shalt  }
0x53: {  	_ =	shalt  }
0x54: {  	_ =	shalt  }
0x55: {  	_ =	shalt  }
0x56: {  	_ =	shalt  }
0x57: {  	_ =	shalt  }
0x58: {  	_ =	shalt  }
0x59: {  	_ =	shalt  }
0x5a: {  	_ =	shalt  }
0x5b: {  	_ =	shalt  }
0x5c: {  	_ =	shalt  }
0x5d: {  	_ =	shalt  }
0x5e: {  	_ =	shalt  }
0x5f: {  	_ =	shalt  }
0x60: {  	_ =	shalt  }
0x61: {  	_ =	shalt  }
0x62: {  	_ =	shalt  }
0x63: {  	_ =	shalt  }
0x64: {  	_ =	shalt  }
0x65: {  	_ =	shalt  }
0x66: {  	_ =	shalt  }
0x67: {  	_ =	shalt  }
0x68: {  	_ =	shalt  }
0x69: {  	_ =	shalt  }
0x6a: {  	_ =	shalt  }
0x6b: {  	_ =	shalt  }
0x6c: {  	_ =	shalt  }
0x6d: {  	_ =	shalt  }
0x6e: {  	_ =	shalt  }
0x6f: {  	_ =	shalt  }
0x70: {  	_ =	shalt  }
0x71: {  	_ =	shalt  }
0x72: {  	_ =	shalt  }
0x73: {  	_ =	shalt  }
0x74: {  	_ =	shalt  }
0x75: {  	_ =	shalt  }
0x76: {  	_ =	shalt  }
0x77: {  	_ =	shalt  }
0x78: {  	_ =	shalt  }
0x79: {  	_ =	shalt  }
0x7a: {  	_ =	shalt  }
0x7b: {  	_ =	shalt  }
0x7c: {  	_ =	shalt  }
0x7d: {  	_ =	shalt  }
0x7e: {  	_ =	shalt  }
0x7f: {  	_ =	shalt  }
0x80: {  	_ =	shalt  }
0x81: {  	_ =	shalt  }
0x82: {  	_ =	shalt  }
0x83: {  	_ =	shalt  }
0x84: {  	_ =	shalt  }
0x85: {  	_ =	shalt  }
0x86: {  	_ =	shalt  }
0x87: {  	_ =	shalt  }
.Lfunc_end0:
.L_simem_size_0:
called_computation_lowered:
.L_overlay_start_0:
0x88: {  	s2 =	sld [smem:$0x3FD9]  }
0x89: {  	s3 =	sld [smem:$0x3FFE];
	_ =	sdelay $0x1  }
0x8a: {  	s1 =	srdreg.scid  }
0x8b: {  	s0 =	sand.u32 $0x1, s1  }
0x8c: {  	s18 =	sshll.u32 s0, $0xA;
	s2 =	sadd.s32 s3, s2  }
0x8d: {  	s2 =	sadd.s32 s2, s18  }
0x8e: {  	[smem:$0x3FC5] =	sst s2  }
0x8f: {  	_ = 	snop  }
0x90: {  	s2 =	sld [smem:$0x3FC9]  }
0x91: {  	s19 =	sld [smem:$0x3FC8]  }
0x92: {  	s4 =	sld [smem:$0x3FC7]  }
0x93: {  	s5 =	sld [smem:$0x3FD0];
	(tm) =	ssettm $0x1  }
0x94: {  	s6 =	sld [smem:$0x3FFB];
	_ =	sdelay $0x3  }
0x95: {  	_ =	strace s6  }
0x96: {  	s6 =	sld [smem:$0x3FFC];
	_ =	sdelay $0x3  }
0x97: {  	_ =	strace s6  }
0x98: {  	s6 =	sld [smem:$0x3FFD];
	_ =	sdelay $0x3  }
0x99: {  	_ =	strace s6  }
0x9a: {  	_ =	strace $0x8FFFFFFF  }
0x9b: {  	s20 =	sld [smem:$0x3FDB];
	_ =	sdelay $0x1  }
0x9c: {  	s7 =	simm.s32 $_scs_section_size  }
0x9d: {  	s8 =	simm.s32 $_size__tile_overlayer_lowered;
	s9 =	simm.s32 $_tile_overlayer_lowered  }
0x9e: {  	s23 =	simm.s32 $0x1BFF;
	s22 =	sshll.u32 s9, $0x1;
	s6 =	sadd.s32 s7, s20  }
0x9f: {  	s10 =	simm.s32 $0x0;
	s21 =	sshll.u32 s8, $0x1;
	s8 =	sadd.s32 s22, s6  }
0xa0: {  	[timem:s10], [sflag:s23] =	dma.local [hbm:s8], s21  }
0xa1: {  	_ =	swait.ge [sflag:s23], s21  }
0xa2: {  	s7 =	ssub.s32 $0x0, s21;
	[sflag:s23] =	ssyncset.done $0x0  }
0xa3: {  	[sflag:s23] =	ssyncadd.s32 s7;
	_ =	sdelay $0x1  }
0xa4: {  	s24 =	simm.s32 $0x1B8B  }
0xa5: {  	_ =	swait.ge [sflag:s24], $0x1  }
0xa6: {  	[sflag:s24] =	ssyncset.done $0x0  }
0xa7: {  	s25 =	simm.s32 $0x1B8E;
	[sflag:s24] =	ssyncadd.s32 $0xFFFFFFFF  }
0xa8: {  	s26 =	simm.s32 $execute0_lowered;
	[smem:$0x3FD2] =	sst s25  }
0xa9: {  	s7 =	sshll.u32 s26, $0x1;
	_ =	strace $0x80000046;
	[dreg:$0x1] =	wrdreg $0xFFFFFFFF  }
0xaa: {  	s28 =	simm.s32 $_size_execute0_lowered;
	s6 =	sadd.s32 s6, s7;
	[dreg:$0x0] =	wrdreg $0x0  }
0xab: {  	s7 =	sshll.u32 s28, $0x1;
	[dreg:$0x2] =	wrdreg s6  }
0xac: {  	[dreg:$0x3] =	wrdreg s7  }
0xad: {  	[dreg:$0x4] =	wrdreg $0xC0  }
0xae: {  	_ =	task [dreg:s10], $0x5FFFF  }
0xaf: {  	[dreg:$0x1] =	wrdreg $0xFFFFFFFF  }
0xb0: {  	[dreg:$0x0] =	wrdreg $0x60  }
0xb1: {  	[dreg:$0x2] =	wrdreg s19  }
0xb2: {  	[dreg:$0x3] =	wrdreg s2  }
0xb3: {  	[dreg:$0x4] =	wrdreg s4  }
0xb4: {  	[dreg:$0x5] =	wrdreg s5  }
0xb5: {  	[dreg:$0x6] =	wrdreg $0x9  }
0xb6: {  	_ =	task.clear_ibuf [dreg:s10], $0x7FFFF;
	_ =	strace $0x90000046  }
0xb7: {  	s29 =	simm.s32 $0x9;
	_ =	strace $0x80000048  }
0xb8: {  	_ =	swait.ge [sflag:s29], $0x1  }
0xb9: {  	[sflag:s29] =	ssyncadd.s32 $0xFFFFFFFF  }
0xba: {  	_ =	strace $0x90000048  }
0xbb: {  	_ =	sfence  }
0xbc: {  	s30 =	sld [smem:$0x0];
	_ =	sdelay $0x2  }
0xbd: {  	s31 =	sshll.u32 s1, $0xD;
	s1 =	sshrl.u32 s1, $0x2  }
0xbe: {  	s3 =	sand.u32 $0x4000, s31;
	s1 =	sadd.s32 s1, s30  }
0xbf: {  	s0 =	sor.u32 s3, s0;
	s1 =	sshll.u32 s1, $0x11  }
0xc0: {  	s0 =	sor.u32 s1, s0  }
0xc1: {  	s0 =	sadd.s32 $0x8F2B, s0  }
0xc2: {  	[sflag:s0] =	ssyncadd.remote.s32 $0x1  }
0xc3: {  	_ =	sfence.sel $0xFFFF  }
0xc4: {  	[dreg:$0x0] =	wrdreg $0xFFFFFFFF;
	(pc) =	sbr.abs _section_cstart, $3  }
0xc5: {  	[dreg:$0x1] =	wrdreg $0xFFFFFFFF  }
0xc6: {  	_ =	task.clear_ibuf [dreg:s10], $0x2FFFF;
	_ =	strace $0x9FFFFFFF  }
0xc7: {  	(tm) =	ssettm $0x7FFFFFFF  }
tec
execute0_lowered:
.L_overlay_start_1:
0x0: {  	(tag) =	ssettag $0x1  }
0x1: {  	s9 =	rddreg [dreg:$0x0]  }
0x2: {  	s0 =	rddreg [dreg:$0x1]  }
0x3: {  	s1 =	rddreg [dreg:$0x2]  }
0x4: {  	s2 =	rddreg [dreg:$0x3];
	s3 =	srdreg.scid  }
0x5: {  	s5 =	stileid.u32;
	s11 =	simm.s32 $0x0;
	s3 =	sand.u32 $0x1, s3  }
0x6: {  	s5 =	sshll.u32 s5, $0x1;
	[smem:$0x7FF] =	sst s11;
	s7 =	sadd.s32 $0x4000, s1  }
0x7: {  	s12 =	sadd.s32 $0x100, s9;
	_ =	strace $0x80000047;
	[dreg:$0x5] =	wrdreg s7  }
0x8: {  	s13 =	sadd.s32 $0x200, s9;
	s5 =	sor.u32 s3, s5;
	[dreg:$0xc] =	wrdreg s12  }
0x9: {  	s14 =	sadd.s32 $0x300, s9;
	[dreg:$0xd] =	wrdreg s13;
	s25 =	sshll.u32 s5, $0x8  }
0xa: {  	[dreg:$0xe] =	wrdreg s14;
	s15 =	sshll.u32 s5, $0xD;
	s8 =	sadd.s32 s1, s25  }
0xb: {  	s15 =	sadd.s32 s2, s15;
	[dreg:$0x6] =	wrdreg s8  }
0xc: {  	s4 =	ssub.s32 $0x2, s3;
	s29 =	sadd.s32 $0x2000, s8;
	[dreg:$0x11] =	wrdreg s15  }
0xd: {  	s6 =	sshrl.u32 s4, $0x1;
	s7 =	sadd.s32 $0x80, s8;
	[dreg:$0x7] =	wrdreg s29  }
0xe: {  	s4 =	ssub.s32 s4, s6;
	s10 =	sadd.s32 $0x2080, s8;
	[dreg:$0xf] =	wrdreg s7  }
0xf: {  	s16 =	smax.u32 s4, $0x1;
	[dreg:$0x10] =	wrdreg s10  }
0x10: {  	s17 =	sadd.s32 $0x10, s8;
	[dreg:$0x12] =	wrdreg s16  }
0x11: {  	s18 =	sadd.s32 $0x20, s8;
	[dreg:$0x13] =	wrdreg s17  }
0x12: {  	s19 =	sadd.s32 $0x30, s8;
	[dreg:$0x14] =	wrdreg s18  }
0x13: {  	s20 =	sadd.s32 $0x40, s8;
	[dreg:$0x15] =	wrdreg s19  }
0x14: {  	s21 =	sadd.s32 $0x50, s8;
	[dreg:$0x16] =	wrdreg s20  }
0x15: {  	s3 =	sshll.u32 s3, $0x6;
	s22 =	sadd.s32 $0x60, s8;
	[dreg:$0x17] =	wrdreg s21  }
0x16: {  	s26 =	sand.u32 $0x1E00, s25;
	s23 =	sadd.s32 $0x70, s8;
	[dreg:$0x18] =	wrdreg s22  }
0x17: {  	s28 =	sor.u32 s3, s26;
	s24 =	sadd.s32 $0x2010, s8;
	[dreg:$0x19] =	wrdreg s23  }
0x18: {  	s3 =	sor.u32 s3, s25;
	s25 =	sadd.s32 $0x2020, s8;
	[dreg:$0x1a] =	wrdreg s24  }
0x19: {  	s26 =	sadd.s32 $0x2030, s8;
	[dreg:$0x1b] =	wrdreg s25  }
0x1a: {  	s1 =	sshrl.u32 s28, $0x3;
	[dreg:$0x1c] =	wrdreg s26;
	s28 =	sadd.s32 $0x2040, s8  }
0x1b: {  	s29 =	sadd.s32 $0x2050, s8;
	[dreg:$0x1d] =	wrdreg s28  }
0x1c: {  	s3 =	sshrl.u32 s3, $0x3;
	s30 =	sadd.s32 s0, s1;
	[dreg:$0x1e] =	wrdreg s29  }
0x1d: {  	s31 =	sor.u32 $0x20, s3;
	[dreg:$0x8] =	wrdreg s30;
	s6 =	sadd.s32 $0x10, s30  }
0x1e: {  	s3 =	sor.u32 $0x30, s3;
	s1 =	sadd.s32 s0, s31;
	[dreg:$0x9] =	wrdreg s6  }
0x1f: {  	s0 =	sadd.s32 s0, s3;
	[dreg:$0xa] =	wrdreg s1  }
0x20: {  	v2 =	vlaneseq.u32;
	s30 =	sadd.s32 $0x2060, s8;
	[dreg:$0xb] =	wrdreg s0  }
0x21: {  	vm0 =	vmmov $0xffff;
	v1 =	vshrl.u32 v2, $0x3;
	s31 =	sadd.s32 $0x2070, s8;
	[dreg:$0x1f] =	wrdreg s30  }
0x22: {  	v0 =	vand.u32 $0x7, v2;
	v2 =	vor.u32 $0x8, v2;
	v1 =	vmul.u32 $0x8, v1;
	s2 =	simm.s32 $0x0;
	[smem:$0x7FD] =	sst s31  }
.LBB2_1:
0x23: {  	[smem:$0x7FC] =	sst s2  }
0x24: {  	s0 =	rddreg [dreg:$0x5]  }
0x25: {  	s1 =	simm.s32 $0x18100;
	s2 =	rddreg [dreg:$0x6]  }
0x26: {  	[tilespmem:s1], [sflag:$0xD] =	stream.linear.gather [hbm4b:s0+s11], $0x6000, $0x38;
	[tilespmem:$0x1F100] =	vst v63  }
0x27: {  	s30 =	simm.s32 $0x1E100;
	s31 =	rddreg [dreg:$0x13]  }
0x28: {  	[tilespmem:s30], [sflag:$0xB] =	stream.linear.gather [hbm4b:s2+s11], $0x80, $0x38;
	[tilespmem:$0x1F100] =	vst v63  }
0x29: {  	s16 =	simm.s32 $0x1E200;
	s3 =	rddreg [dreg:$0x14]  }
0x2a: {  	[tilespmem:s16], [sflag:$0xB] =	stream.linear.gather [hbm4b:s31+s11], $0x80, $0x38;
	[tilespmem:$0x1F100] =	vst v63  }
0x2b: {  	s17 =	simm.s32 $0x1E300;
	s4 =	rddreg [dreg:$0x15]  }
0x2c: {  	[tilespmem:s17], [sflag:$0xB] =	stream.linear.gather [hbm4b:s3+s11], $0x80, $0x38;
	[tilespmem:$0x1F100] =	vst v63  }
0x2d: {  	s18 =	simm.s32 $0x1E400;
	s5 =	rddreg [dreg:$0x16]  }
0x2e: {  	[tilespmem:s18], [sflag:$0xB] =	stream.linear.gather [hbm4b:s4+s11], $0x80, $0x38;
	[tilespmem:$0x1F100] =	vst v63  }
0x2f: {  	s19 =	simm.s32 $0x1E500;
	s6 =	rddreg [dreg:$0x17]  }
0x30: {  	[tilespmem:s19], [sflag:$0xB] =	stream.linear.gather [hbm4b:s5+s11], $0x80, $0x38;
	[tilespmem:$0x1F100] =	vst v63  }
0x31: {  	s20 =	simm.s32 $0x1E600;
	s7 =	rddreg [dreg:$0x18]  }
0x32: {  	[tilespmem:s20], [sflag:$0xB] =	stream.linear.gather [hbm4b:s6+s11], $0x80, $0x38;
	[tilespmem:$0x1F100] =	vst v63  }
0x33: {  	s21 =	simm.s32 $0x1E700;
	s8 =	rddreg [dreg:$0x19]  }
0x34: {  	[tilespmem:s21], [sflag:$0xB] =	stream.linear.gather [hbm4b:s7+s11], $0x80, $0x38;
	[tilespmem:$0x1F100] =	vst v63  }
0x35: {  	s22 =	simm.s32 $0x1E800;
	s23 =	rddreg [dreg:$0x1c]  }
0x36: {  	[tilespmem:s22], [sflag:$0xB] =	stream.linear.gather [hbm4b:s8+s11], $0x80, $0x38;
	[tilespmem:$0x1F100] =	vst v63  }
0x37: {  	s10 =	simm.s32 $0x1E900;
	s1 =	rddreg [dreg:$0x7]  }
0x38: {  	[tilespmem:s10], [sflag:$0xB] =	stream.linear.gather [hbm4b:s1+s11], $0x80, $0x38;
	[tilespmem:$0x1F100] =	vst v63  }
0x39: {  	s16 =	simm.s32 $0x1EA00;
	s10 =	rddreg [dreg:$0x1a]  }
0x3a: {  	[tilespmem:s16], [sflag:$0xB] =	stream.linear.gather [hbm4b:s10+s11], $0x80, $0x38;
	[tilespmem:$0x1F100] =	vst v63  }
0x3b: {  	s17 =	simm.s32 $0x1EB00;
	s16 =	rddreg [dreg:$0x1b]  }
0x3c: {  	[tilespmem:s17], [sflag:$0xB] =	stream.linear.gather [hbm4b:s16+s11], $0x80, $0x38;
	[tilespmem:$0x1F100] =	vst v63  }
0x3d: {  	s24 =	rddreg [dreg:$0x1d];
	s18 =	simm.s32 $0x1EC00  }
0x3e: {  	[tilespmem:s18], [sflag:$0xB] =	stream.linear.gather [hbm4b:s23+s11], $0x80, $0x38;
	[tilespmem:$0x1F100] =	vst v63  }
0x3f: {  	s25 =	rddreg [dreg:$0x1e];
	s19 =	simm.s32 $0x1ED00  }
0x40: {  	[tilespmem:s19], [sflag:$0xB] =	stream.linear.gather [hbm4b:s24+s11], $0x80, $0x38;
	[tilespmem:$0x1F100] =	vst v63  }
0x41: {  	s26 =	rddreg [dreg:$0x1f];
	s20 =	simm.s32 $0x1EE00  }
0x42: {  	[tilespmem:s20], [sflag:$0xB] =	stream.linear.gather [hbm4b:s25+s11], $0x80, $0x38;
	[tilespmem:$0x1F100] =	vst v63  }
0x43: {  	s28 =	sld [smem:$0x7FD];
	s21 =	simm.s32 $0x1EF00  }
0x44: {  	[tilespmem:s21], [sflag:$0xB] =	stream.linear.gather [hbm4b:s26+s11], $0x80, $0x38;
	[tilespmem:$0x1F100] =	vst v63  }
0x45: {  	s22 =	simm.s32 $0x1F000  }
0x46: {  	[tilespmem:s22], [sflag:$0xB] =	stream.linear.gather [hbm4b:s28+s11], $0x80, $0x38;
	[tilespmem:$0x1F100] =	vst v63  }
0x47: {  	s29 =	simm.s32 $0x1E180  }
0x48: {  	[tilespmem:s29], [sflag:$0xC] =	stream.linear.gather [hbm4b:s2+s11], $0x80, $0x38;
	[tilespmem:$0x1F100] =	vst v63  }
0x49: {  	s30 =	simm.s32 $0x1E280  }
0x4a: {  	[tilespmem:s30], [sflag:$0xC] =	stream.linear.gather [hbm4b:s31+s11], $0x80, $0x38;
	[tilespmem:$0x1F100] =	vst v63  }
0x4b: {  	s31 =	simm.s32 $0x1E380  }
0x4c: {  	[tilespmem:s31], [sflag:$0xC] =	stream.linear.gather [hbm4b:s3+s11], $0x80, $0x38;
	[tilespmem:$0x1F100] =	vst v63  }
0x4d: {  	s2 =	simm.s32 $0x1E480  }
0x4e: {  	[tilespmem:s2], [sflag:$0xC] =	stream.linear.gather [hbm4b:s4+s11], $0x80, $0x38;
	[tilespmem:$0x1F100] =	vst v63  }
0x4f: {  	s3 =	simm.s32 $0x1E580  }
0x50: {  	[tilespmem:s3], [sflag:$0xC] =	stream.linear.gather [hbm4b:s5+s11], $0x80, $0x38;
	[tilespmem:$0x1F100] =	vst v63  }
0x51: {  	s4 =	simm.s32 $0x1E680  }
0x52: {  	[tilespmem:s4], [sflag:$0xC] =	stream.linear.gather [hbm4b:s6+s11], $0x80, $0x38;
	[tilespmem:$0x1F100] =	vst v63  }
0x53: {  	s5 =	simm.s32 $0x1E780  }
0x54: {  	[tilespmem:s5], [sflag:$0xC] =	stream.linear.gather [hbm4b:s7+s11], $0x80, $0x38;
	[tilespmem:$0x1F100] =	vst v63  }
0x55: {  	s6 =	simm.s32 $0x1E880  }
0x56: {  	[tilespmem:s6], [sflag:$0xC] =	stream.linear.gather [hbm4b:s8+s11], $0x80, $0x38;
	[tilespmem:$0x1F100] =	vst v63  }
0x57: {  	s7 =	simm.s32 $0x1E980  }
0x58: {  	[tilespmem:s7], [sflag:$0xC] =	stream.linear.gather [hbm4b:s1+s11], $0x80, $0x38;
	[tilespmem:$0x1F100] =	vst v63  }
0x59: {  	s8 =	simm.s32 $0x1EA80  }
0x5a: {  	[tilespmem:s8], [sflag:$0xC] =	stream.linear.gather [hbm4b:s10+s11], $0x80, $0x38;
	[tilespmem:$0x1F100] =	vst v63  }
0x5b: {  	s10 =	simm.s32 $0x1EB80  }
0x5c: {  	[tilespmem:s10], [sflag:$0xC] =	stream.linear.gather [hbm4b:s16+s11], $0x80, $0x38;
	[tilespmem:$0x1F100] =	vst v63  }
0x5d: {  	s16 =	simm.s32 $0x1EC80  }
0x5e: {  	[tilespmem:s16], [sflag:$0xC] =	stream.linear.gather [hbm4b:s23+s11], $0x80, $0x38;
	[tilespmem:$0x1F100] =	vst v63  }
0x5f: {  	s17 =	simm.s32 $0x1ED80  }
0x60: {  	[tilespmem:s17], [sflag:$0xC] =	stream.linear.gather [hbm4b:s24+s11], $0x80, $0x38;
	[tilespmem:$0x1F100] =	vst v63  }
0x61: {  	s18 =	simm.s32 $0x1EE80  }
0x62: {  	[tilespmem:s18], [sflag:$0xC] =	stream.linear.gather [hbm4b:s25+s11], $0x80, $0x38;
	[tilespmem:$0x1F100] =	vst v63  }
0x63: {  	s19 =	simm.s32 $0x1EF80  }
0x64: {  	[tilespmem:s19], [sflag:$0xC] =	stream.linear.gather [hbm4b:s26+s11], $0x80, $0x38;
	[tilespmem:$0x1F100] =	vst v63  }
0x65: {  	s20 =	simm.s32 $0x1F080  }
0x66: {  	[tilespmem:s20], [sflag:$0xC] =	stream.linear.gather [hbm4b:s28+s11], $0x80, $0x38;
	[tilespmem:$0x1F100] =	vst v63  }
0x67: {  	s22 =	rddreg [dreg:$0x8]  }
0x68: {  	[tilespmem:s11], [sflag:$0xE] =	stream.linear.gather [hbm4b:s22+s11], $0x40, $0x38;
	[tilespmem:$0x1F100] =	vst v63  }
0x69: {  	s23 =	rddreg [dreg:$0x9];
	s24 =	simm.s32 $0x40  }
0x6a: {  	[tilespmem:s24], [sflag:$0xE] =	stream.linear.gather [hbm4b:s23+s11], $0x40, $0x38;
	[tilespmem:$0x1F100] =	vst v63  }
0x6b: {  	s25 =	rddreg [dreg:$0xa];
	s26 =	simm.s32 $0x80  }
0x6c: {  	[tilespmem:s26], [sflag:$0xE] =	stream.linear.gather [hbm4b:s25+s11], $0x40, $0x38;
	[tilespmem:$0x1F100] =	vst v63  }
0x6d: {  	s29 =	simm.s32 $0xC0;
	s30 =	simm.s32 $0xE;
	s28 =	rddreg [dreg:$0xb]  }
0x6e: {  	[tilespmem:s29], [sflag:$0xE] =	stream.linear.gather [hbm4b:s28+s11], $0x40, $0x38;
	[tilespmem:$0x1F100] =	vst v63  }
0x6f: {  	_ =	swait.ge [sflag:s30], $0x40  }
0x70: {  	[sflag:s30] =	ssyncset.done $0x0  }
0x71: {  	[sflag:s30] =	ssyncadd.s32 $0xFFFFFFC0  }
0x72: {  	_ =	swait.ge [sflag:s30], $0x40  }
0x73: {  	[sflag:s30] =	ssyncset.done $0x0  }
0x74: {  	[sflag:s30] =	ssyncadd.s32 $0xFFFFFFC0  }
0x75: {  	_ =	swait.ge [sflag:s30], $0x40  }
0x76: {  	[sflag:s30] =	ssyncset.done $0x0  }
0x77: {  	[sflag:s30] =	ssyncadd.s32 $0xFFFFFFC0  }
0x78: {  	_ =	swait.ge [sflag:s30], $0x40  }
0x79: {  	[sflag:s30] =	ssyncset.done $0x0  }
0x7a: {  	[sflag:s30] =	ssyncadd.s32 $0xFFFFFFC0  }
0x7b: {  	v3 =	vld [tilespmem:$0x0];
	_ =	sdelay $0x4  }
0x7c: {  	v4 =	vshll.u32 v3, $0x3  }
0x7d: {  	v3 =	vand.u32 $0x7, v3;
	v4 =	vand.u32 $0xFFFFFFC0, v4  }
0x7e: {  	v3 =	vor.u32 v3, v4  }
0x7f: {  	v4 =	vperm.xlane v3, v0;
	_ =	sdelay $0x1  }
0x80: {  	v4 =	vadd.s32 v1, v4;
	_ =	sdelay $0x3  }
0x81: {  	s31 =	simm.s32 $0x100  }
0x82: {  	[tilespmem:s31], [sflag:$0x1] =	stream.indirect_vreg.gather [hbm4b:s9+s11], $0x80, v4, vm0, $0xb8;
	[tilespmem:$0x1F100] =	vst v63  }
0x83: {  	s1 =	simm.s32 $0x900;
	v3 =	vperm.xlane v3, v2  }
0x84: {  	[tilespmem:s1], [sflag:$0x1] =	stream.indirect_vreg.gather [hbm4b:s12+s11], $0x80, v4, vm0, $0xb8;
	[tilespmem:$0x1F100] =	vst v63  }
0x85: {  	s2 =	simm.s32 $0x1100;
	v3 =	vadd.s32 v1, v3  }
0x86: {  	[tilespmem:s2], [sflag:$0x1] =	stream.indirect_vreg.gather [hbm4b:s13+s11], $0x80, v4, vm0, $0xb8;
	[tilespmem:$0x1F100] =	vst v63  }
0x87: {  	s3 =	simm.s32 $0x1900  }
0x88: {  	[tilespmem:s3], [sflag:$0x1] =	stream.indirect_vreg.gather [hbm4b:s14+s11], $0x80, v4, vm0, $0xb8;
	[tilespmem:$0x1F100] =	vst v63  }
0x89: {  	s4 =	simm.s32 $0x2100  }
0x8a: {  	[tilespmem:s4], [sflag:$0x1] =	stream.indirect_vreg.gather [hbm4b:s9+s11], $0x80, v3, vm0, $0xb8;
	[tilespmem:$0x1F100] =	vst v63  }
0x8b: {  	s5 =	simm.s32 $0x2900  }
0x8c: {  	[tilespmem:s5], [sflag:$0x1] =	stream.indirect_vreg.gather [hbm4b:s12+s11], $0x80, v3, vm0, $0xb8;
	[tilespmem:$0x1F100] =	vst v63  }
0x8d: {  	s6 =	simm.s32 $0x3100  }
0x8e: {  	[tilespmem:s6], [sflag:$0x1] =	stream.indirect_vreg.gather [hbm4b:s13+s11], $0x80, v3, vm0, $0xb8;
	[tilespmem:$0x1F100] =	vst v63  }
0x8f: {  	s7 =	simm.s32 $0x3900  }
0x90: {  	[tilespmem:s7], [sflag:$0x1] =	stream.indirect_vreg.gather [hbm4b:s14+s11], $0x80, v3, vm0, $0xb8;
	[tilespmem:$0x1F100] =	vst v63  }
0x91: {  	v3 =	vld [tilespmem:$0x40];
	_ =	sdelay $0x4  }
0x92: {  	v62 =	vshll.u32 v3, $0x3  }
0x93: {  	v3 =	vand.u32 $0x7, v3;
	v4 =	vand.u32 $0xFFFFFFC0, v62  }
0x94: {  	v3 =	vor.u32 v3, v4  }
0x95: {  	v4 =	vperm.xlane v3, v0;
	_ =	sdelay $0x1  }
0x96: {  	v4 =	vadd.s32 v1, v4;
	_ =	sdelay $0x3  }
0x97: {  	s8 =	simm.s32 $0x4100  }
0x98: {  	[tilespmem:s8], [sflag:$0x2] =	stream.indirect_vreg.gather [hbm4b:s9+s11], $0x80, v4, vm0, $0xb8;
	[tilespmem:$0x1F100] =	vst v63  }
0x99: {  	s10 =	simm.s32 $0x4900;
	v3 =	vperm.xlane v3, v2  }
0x9a: {  	[tilespmem:s10], [sflag:$0x2] =	stream.indirect_vreg.gather [hbm4b:s12+s11], $0x80, v4, vm0, $0xb8;
	[tilespmem:$0x1F100] =	vst v63  }
0x9b: {  	s16 =	simm.s32 $0x5100;
	v3 =	vadd.s32 v1, v3  }
0x9c: {  	[tilespmem:s16], [sflag:$0x2] =	stream.indirect_vreg.gather [hbm4b:s13+s11], $0x80, v4, vm0, $0xb8;
	[tilespmem:$0x1F100] =	vst v63  }
0x9d: {  	s17 =	simm.s32 $0x5900  }
0x9e: {  	[tilespmem:s17], [sflag:$0x2] =	stream.indirect_vreg.gather [hbm4b:s14+s11], $0x80, v4, vm0, $0xb8;
	[tilespmem:$0x1F100] =	vst v63  }
0x9f: {  	s18 =	simm.s32 $0x6100  }
0xa0: {  	[tilespmem:s18], [sflag:$0x2] =	stream.indirect_vreg.gather [hbm4b:s9+s11], $0x80, v3, vm0, $0xb8;
	[tilespmem:$0x1F100] =	vst v63  }
0xa1: {  	s19 =	simm.s32 $0x6900  }
0xa2: {  	[tilespmem:s19], [sflag:$0x2] =	stream.indirect_vreg.gather [hbm4b:s12+s11], $0x80, v3, vm0, $0xb8;
	[tilespmem:$0x1F100] =	vst v63  }
0xa3: {  	s20 =	simm.s32 $0x7100  }
0xa4: {  	[tilespmem:s20], [sflag:$0x2] =	stream.indirect_vreg.gather [hbm4b:s13+s11], $0x80, v3, vm0, $0xb8;
	[tilespmem:$0x1F100] =	vst v63  }
0xa5: {  	s21 =	simm.s32 $0x7900  }
0xa6: {  	[tilespmem:s21], [sflag:$0x2] =	stream.indirect_vreg.gather [hbm4b:s14+s11], $0x80, v3, vm0, $0xb8;
	[tilespmem:$0x1F100] =	vst v63  }
0xa7: {  	v3 =	vld [tilespmem:$0x80];
	_ =	sdelay $0x4  }
0xa8: {  	v63 =	vshll.u32 v3, $0x3  }
0xa9: {  	v3 =	vand.u32 $0x7, v3;
	v4 =	vand.u32 $0xFFFFFFC0, v63  }
0xaa: {  	v3 =	vor.u32 v3, v4  }
0xab: {  	v4 =	vperm.xlane v3, v0;
	_ =	sdelay $0x1  }
0xac: {  	v4 =	vadd.s32 v1, v4;
	_ =	sdelay $0x3  }
0xad: {  	s22 =	simm.s32 $0x8100  }
0xae: {  	[tilespmem:s22], [sflag:$0x3] =	stream.indirect_vreg.gather [hbm4b:s9+s11], $0x80, v4, vm0, $0xb8;
	[tilespmem:$0x1F100] =	vst v63  }
0xaf: {  	s23 =	simm.s32 $0x8900;
	v3 =	vperm.xlane v3, v2  }
0xb0: {  	[tilespmem:s23], [sflag:$0x3] =	stream.indirect_vreg.gather [hbm4b:s12+s11], $0x80, v4, vm0, $0xb8;
	[tilespmem:$0x1F100] =	vst v63  }
0xb1: {  	s24 =	simm.s32 $0x9100;
	v3 =	vadd.s32 v1, v3  }
0xb2: {  	[tilespmem:s24], [sflag:$0x3] =	stream.indirect_vreg.gather [hbm4b:s13+s11], $0x80, v4, vm0, $0xb8;
	[tilespmem:$0x1F100] =	vst v63  }
0xb3: {  	s25 =	simm.s32 $0x9900  }
0xb4: {  	[tilespmem:s25], [sflag:$0x3] =	stream.indirect_vreg.gather [hbm4b:s14+s11], $0x80, v4, vm0, $0xb8;
	[tilespmem:$0x1F100] =	vst v63  }
0xb5: {  	s26 =	simm.s32 $0xA100  }
0xb6: {  	[tilespmem:s26], [sflag:$0x3] =	stream.indirect_vreg.gather [hbm4b:s9+s11], $0x80, v3, vm0, $0xb8;
	[tilespmem:$0x1F100] =	vst v63  }
0xb7: {  	s28 =	simm.s32 $0xA900  }
0xb8: {  	[tilespmem:s28], [sflag:$0x3] =	stream.indirect_vreg.gather [hbm4b:s12+s11], $0x80, v3, vm0, $0xb8;
	[tilespmem:$0x1F100] =	vst v63  }
0xb9: {  	s29 =	simm.s32 $0xB100  }
0xba: {  	[tilespmem:s29], [sflag:$0x3] =	stream.indirect_vreg.gather [hbm4b:s13+s11], $0x80, v3, vm0, $0xb8;
	[tilespmem:$0x1F100] =	vst v63  }
0xbb: {  	s30 =	simm.s32 $0xB900;
	s31 =	simm.s32 $0xD  }
0xbc: {  	[tilespmem:s30], [sflag:$0x3] =	stream.indirect_vreg.gather [hbm4b:s14+s11], $0x80, v3, vm0, $0xb8;
	[tilespmem:$0x1F100] =	vst v63  }
0xbd: {  	_ =	swait.ge [sflag:s31], $0x6000  }
0xbe: {  	[sflag:s31] =	ssyncset.done $0x0  }
0xbf: {  	s8 =	simm.s32 $0x0;
	[sflag:s31] =	ssyncadd.s32 $0xFFFFA000  }
.LBB2_2:
0xc0: {  	s17 =	smul.u32 $0xCD, s8;
	_ =	sdelay $0x1  }
0xc1: {  	s0 =	sadd.s32 $0x267, s17  }
0xc2: {  	s0 =	sshrl.u32 s0, $0xA  }
0xc3: {  	s0 =	sand.u32 $0x3F, s0  }
0xc4: {  	s0 =	smul.u32 $0x5, s0  }
0xc5: {  	s1 =	sadd.s32 $0x3, s8;
	p0 =	sgt.u32 s8, $0xC  }
0xc6: {  	p1 =	slt.u32 @!p0 s8, $0x2;
	s0 =	ssub.s32 s1, s0  }
0xc7: {  	p1 =	por p1, p0;
	s0 =	sand.u32 $0xFF, s0  }
0xc8: {  	s2 =	sadd.s32 @!p1 $0x6, s0  }
0xc9: {  	s3 =	sshll.u32 @!p0 s1, $0x6;
	s1 =	sshll.u32 @!p0 s1, $0x2;
	_ =	swait.ge @!p1 [sflag:s2], $0x4000  }
0xca: {  	s3 =	sand.u32 @!p0 $0xC0, s3;
	s1 =	sand.u32 @!p0 $0x70, s1;
	[sflag:s2] =	ssyncset.done @!p1 $0x0  }
0xcb: {  	s1 =	sadd.s32 @!p0 s1, s3;
	[sflag:s2] =	ssyncadd.s32 @!p1 $0xFFFFC000  }
0xcc: {  	v3 =	vld @!p0 [tilespmem:s1+$0x0];
	_ =	sdelay $0x4  }
0xcd: {  	v4 =	vshll.u32 @!p0 v3, $0x3  }
0xce: {  	v5 =	vlaneseq.u32 @!p0;
	v3 =	vand.u32 @!p0 $0x7, v3;
	v4 =	vand.u32 @!p0 $0xFFFFFFC0, v4  }
0xcf: {  	v6 =	vshrl.u32 @!p0 v5, $0x3;
	v3 =	vor.u32 @!p0 v3, v4;
	v4 =	vand.u32 @!p0 $0x7, v5  }
0xd0: {  	v6 =	vmul.u32 @!p0 $0x8, v6;
	v4 =	vperm.xlane @!p0 v3, v4;
	_ =	sdelay $0x1  }
0xd1: {  	v4 =	vadd.s32 @!p0 v6, v4;
	_ =	sdelay $0x2  }
0xd2: {  	s1 =	sshll.u32 @!p0 s0, $0xE  }
0xd3: {  	vm1 =	vmmov @!p0 $0xffff;
	s3 =	simm.s32 @!p0 $0x0;
	s0 =	sadd.s32 @!p0 $0x1, s0;
	s2 =	sor.u32 @!p0 $0x100, s1  }
0xd4: {  	v5 =	vor.u32 @!p0 $0x8, v5;
	[tilespmem:s2], [sflag:s0] =	stream.indirect_vreg.gather @!p0 [hbm4b:s9+s3], $0x80, v4, vm1, $0xb8;
	[tilespmem:$0x1F100] =	vst v63  }
0xd5: {  	v3 =	vperm.xlane @!p0 v3, v5;
	s2 =	sor.u32 @!p0 $0x900, s1  }
0xd6: {  	[tilespmem:s2], [sflag:s0] =	stream.indirect_vreg.gather @!p0 [hbm4b:s12+s3], $0x80, v4, vm1, $0xb8;
	[tilespmem:$0x1F100] =	vst v63  }
0xd7: {  	v3 =	vadd.s32 @!p0 v6, v3;
	s2 =	sor.u32 @!p0 $0x1100, s1  }
0xd8: {  	[tilespmem:s2], [sflag:s0] =	stream.indirect_vreg.gather @!p0 [hbm4b:s13+s3], $0x80, v4, vm1, $0xb8;
	[tilespmem:$0x1F100] =	vst v63  }
0xd9: {  	s2 =	sor.u32 @!p0 $0x1900, s1  }
0xda: {  	[tilespmem:s2], [sflag:s0] =	stream.indirect_vreg.gather @!p0 [hbm4b:s14+s3], $0x80, v4, vm1, $0xb8;
	[tilespmem:$0x1F100] =	vst v63  }
0xdb: {  	s2 =	sor.u32 @!p0 $0x2100, s1  }
0xdc: {  	[tilespmem:s2], [sflag:s0] =	stream.indirect_vreg.gather @!p0 [hbm4b:s9+s3], $0x80, v3, vm1, $0xb8;
	[tilespmem:$0x1F100] =	vst v63  }
0xdd: {  	s2 =	sor.u32 @!p0 $0x2900, s1  }
0xde: {  	[tilespmem:s2], [sflag:s0] =	stream.indirect_vreg.gather @!p0 [hbm4b:s12+s3], $0x80, v3, vm1, $0xb8;
	[tilespmem:$0x1F100] =	vst v63  }
0xdf: {  	s2 =	sor.u32 @!p0 $0x3100, s1  }
0xe0: {  	[tilespmem:s2], [sflag:s0] =	stream.indirect_vreg.gather @!p0 [hbm4b:s13+s3], $0x80, v3, vm1, $0xb8;
	[tilespmem:$0x1F100] =	vst v63  }
0xe1: {  	s16 =	sand.u32 $0x3, s8;
	s1 =	sor.u32 @!p0 $0x3900, s1  }
0xe2: {  	[tilespmem:s1], [sflag:s0] =	stream.indirect_vreg.gather @!p0 [hbm4b:s14+s3], $0x80, v3, vm1, $0xb8;
	[tilespmem:$0x1F100] =	vst v63  }
0xe3: {  	p0 =	sne.s32 s16, $0x0  }
.Ltmp0:
0xe4: {  	_ = 	snop;
	(pc) =	sbr.rel @p0 .LBB2_6-.Ltmp0, $2  }
0xe5: {  	_ =	sdelay $0x2  }
0xe6: {  	s10 =	sshrl.u32 s8, $0x2  }
0xe7: {  	[smem:$0x7FB] =	sst s16  }
0xe8: {  	s0 =	sand.u32 $0x1, s10;
	s1 =	sshll.u32 s10, $0xB;
	s2 =	sshll.u32 s10, $0x7  }
0xe9: {  	s3 =	simm.s32 $0x0;
	s0 =	sadd.s32 $0xB, s0;
	s1 =	sand.u32 $0x800, s1  }
0xea: {  	s16 =	sand.u32 $0x380, s3;
	_ =	swait.ge [sflag:s0], $0x800;
	s24 =	sor.u32 $0x18100, s1  }
0xeb: {  	s4 =	sand.u32 $0x70, s3;
	[sflag:s0] =	ssyncset.done $0x0;
	s5 =	sadd.s32 s16, s24  }
0xec: {  	s2 =	sand.u32 $0x80, s2;
	[sflag:s0] =	ssyncadd.s32 $0xFFFFF800;
	s18 =	sadd.s32 s4, s5  }
0xed: {  	s19 =	sand.u32 $0x700, s3;
	s25 =	sor.u32 $0x1E100, s2;
	v3 =	vld [tilespmem:s18+$0x0]  }
0xee: {  	s3 =	sand.u32 $0x1C00, s3;
	s2 =	sadd.s32 s19, s25;
	v4 =	vld [tilespmem:s18+$0x400]  }
0xef: {  	s20 =	sshrl.u32 s3, $0x2;
	s2 =	sadd.s32 s4, s2;
	v5 =	vld [tilespmem:s18+$0x1400]  }
0xf0: {  	s5 =	sadd.s32 s20, s25;
	v6 =	vld [tilespmem:s2+$0x800]  }
0xf1: {  	s21 =	sadd.s32 s4, s5;
	v7 =	vld [tilespmem:s18+$0x1000]  }
0xf2: {  	v8 =	vld [tilespmem:s21+$0x0];
	_ =	sdelay $0x1  }
0xf3: {  	s6 =	sor.u32 s4, s16  }
0xf4: {  	v11 =	vld [tilespmem:s6+$0x1C100];
	v9 =	vmul.f32 v5, v6;
	v10 =	vmul.f32 v4, v6  }
0xf5: {  	v13 =	vld [tilespmem:s6+$0x1A100];
	v12 =	vmul.f32 v3, v6;
	v6 =	vmul.f32 v7, v6  }
0xf6: {  	v4 =	vmul.f32 v4, v8;
	v5 =	vmul.f32 v5, v8  }
0xf7: {  	v14 =	vmul.f32 v3, v8;
	v7 =	vmul.f32 v7, v8  }
0xf8: {  	v3 =	vadd.f32 v9, v4;
	v4 =	vsub.f32 v10, v5  }
0xf9: {  	v9 =	vadd.f32 v6, v14;
	v10 =	vsub.f32 v12, v7  }
0xfa: {  	v5 =	vmul.f32 v3, v13;
	v6 =	vmul.f32 v11, v4  }
0xfb: {  	v7 =	vmul.f32 v13, v9;
	v8 =	vmul.f32 v11, v10  }
0xfc: {  	v5 =	vadd.f32 v6, v5  }
0xfd: {  	s7 =	sor.u32 s4, s3;
	v6 =	vadd.f32 v8, v7  }
0xfe: {  	s5 =	simm.s32 $0x20;
	[tilespmem:s7+$0x16100] =	vst v5  }
0xff: {  	s22 =	simm.s32 $0x10;
	s3 =	sand.u32 $0x700, s5;
	[tilespmem:s7+$0x14100] =	vst v6  }
0x100: {  	s23 =	sand.u32 $0x380, s22;
	s0 =	sand.u32 $0x70, s22;
	s3 =	sadd.s32 s3, s25;
	v6 =	vld [tilespmem:s6+$0x1C500]  }
0x101: {  	s9 =	simm.s32 $0x80;
	s26 =	sadd.s32 s23, s24;
	s3 =	sadd.s32 s0, s3;
	v7 =	vld [tilespmem:s6+$0x1A500]  }
0x102: {  	s2 =	sadd.s32 s0, s26;
	s4 =	sand.u32 $0x1C00, s9;
	v12 =	vld [tilespmem:s3+$0x800]  }
0x103: {  	s11 =	sshrl.u32 s4, $0x2;
	v11 =	vld [tilespmem:s2+$0x1400]  }
0x104: {  	s5 =	sadd.s32 s11, s25;
	v8 =	vld [tilespmem:s2+$0x400]  }
0x105: {  	s12 =	sadd.s32 s0, s5;
	v5 =	vld [tilespmem:s2+$0x0]  }
0x106: {  	v14 =	vld [tilespmem:s12+$0x0];
	v15 =	vmul.f32 v6, v4;
	v16 =	vmul.f32 v7, v3  }
0x107: {  	v13 =	vld [tilespmem:s2+$0x1000];
	v6 =	vmul.f32 v6, v10;
	v7 =	vmul.f32 v7, v9  }
0x108: {  	v15 =	vadd.f32 v15, v16  }
0x109: {  	s18 =	sor.u32 s0, s23;
	v17 =	vmul.f32 v8, v12;
	v6 =	vadd.f32 v6, v7  }
0x10a: {  	v18 =	vld [tilespmem:s18+$0x1C100];
	v19 =	vmul.f32 v5, v12;
	v16 =	vmul.f32 v11, v12;
	[tilespmem:s7+$0x16180] =	vst v15  }
0x10b: {  	v20 =	vld [tilespmem:s18+$0x1A100];
	v7 =	vmul.f32 v8, v14;
	v11 =	vmul.f32 v11, v14;
	[tilespmem:s7+$0x14180] =	vst v6  }
0x10c: {  	s13 =	simm.s32 $0x20;
	v12 =	vmul.f32 v13, v12;
	v6 =	vmul.f32 v13, v14;
	v13 =	vld [tilespmem:s6+$0x1A900]  }
0x10d: {  	s14 =	sand.u32 $0x380, s13;
	v5 =	vmul.f32 v5, v14;
	v8 =	vadd.f32 v16, v7;
	v7 =	vsub.f32 v17, v11;
	v11 =	vld [tilespmem:s6+$0x1C900]  }
0x10e: {  	s15 =	sand.u32 $0x70, s13;
	s16 =	sadd.s32 s14, s24  }
0x10f: {  	s19 =	simm.s32 $0x40;
	s1 =	sadd.s32 s15, s16;
	v5 =	vadd.f32 v12, v5;
	v6 =	vsub.f32 v19, v6  }
0x110: {  	s11 =	simm.s32 $0x100;
	s5 =	sand.u32 $0x700, s19;
	v15 =	vld [tilespmem:s1+$0x0];
	v12 =	vmul.f32 v8, v20;
	v14 =	vmul.f32 v18, v7  }
0x111: {  	s20 =	sand.u32 $0x1C00, s11;
	s5 =	sadd.s32 s5, s25;
	v16 =	vmul.f32 v20, v5;
	v17 =	vmul.f32 v18, v6;
	v18 =	vld [tilespmem:s1+$0x400]  }
0x112: {  	s22 =	sshrl.u32 s20, $0x2;
	s5 =	sadd.s32 s15, s5;
	v12 =	vadd.f32 v14, v12;
	v14 =	vld [tilespmem:s1+$0x1400];
	v19 =	vmul.f32 v13, v9;
	v20 =	vmul.f32 v11, v10  }
0x113: {  	s19 =	sor.u32 s0, s4;
	s0 =	sadd.s32 s22, s25;
	v16 =	vadd.f32 v17, v16;
	v17 =	vld [tilespmem:s5+$0x800];
	v13 =	vmul.f32 v13, v3;
	v11 =	vmul.f32 v11, v4  }
0x114: {  	s0 =	sadd.s32 s15, s0;
	[tilespmem:s19+$0x16100] =	vst v12;
	v12 =	vadd.f32 v20, v19;
	v19 =	vld [tilespmem:s1+$0x1000]  }
0x115: {  	[tilespmem:s19+$0x14100] =	vst v16;
	v11 =	vadd.f32 v11, v13;
	v16 =	vld [tilespmem:s0+$0x0]  }
0x116: {  	v13 =	vld [tilespmem:s18+$0x1C500];
	[tilespmem:s7+$0x14200] =	vst v12  }
0x117: {  	v12 =	vld [tilespmem:s18+$0x1A500];
	[tilespmem:s7+$0x16200] =	vst v11  }
0x118: {  	v20 =	vld [tilespmem:s6+$0x1AD00]  }
0x119: {  	v11 =	vmul.f32 v14, v17;
	v23 =	vld [tilespmem:s6+$0x1CD00]  }
0x11a: {  	s23 =	simm.s32 $0x30;
	v21 =	vmul.f32 v18, v17;
	v22 =	vmul.f32 v15, v17  }
0x11b: {  	s26 =	sand.u32 $0x380, s23;
	v17 =	vmul.f32 v19, v17;
	v18 =	vmul.f32 v18, v16  }
0x11c: {  	s21 =	sor.u32 s15, s14;
	s12 =	simm.s32 $0x60;
	s2 =	sadd.s32 s26, s24;
	v24 =	vmul.f32 v13, v6;
	v13 =	vmul.f32 v13, v7  }
0x11d: {  	s0 =	sand.u32 $0x70, s23;
	s1 =	sand.u32 $0x700, s12;
	s12 =	simm.s32 $0x40;
	v25 =	vmul.f32 v12, v5;
	v12 =	vmul.f32 v12, v8  }
0x11e: {  	v26 =	vld [tilespmem:s21+$0x1C100];
	s9 =	sadd.s32 s0, s2;
	s2 =	sand.u32 $0x380, s12;
	v28 =	vmul.f32 v23, v10;
	v29 =	vmul.f32 v20, v9  }
0x11f: {  	v27 =	vld [tilespmem:s21+$0x1A100];
	s29 =	sand.u32 $0x70, s12;
	s13 =	sadd.s32 s2, s24;
	v23 =	vmul.f32 v23, v4;
	v20 =	vmul.f32 v20, v3;
	v13 =	vadd.f32 v13, v12  }
0x120: {  	v31 =	vld [tilespmem:s9+$0x0];
	s14 =	sadd.s32 s29, s13;
	v15 =	vmul.f32 v15, v16;
	v14 =	vmul.f32 v14, v16;
	v24 =	vadd.f32 v24, v25  }
0x121: {  	v30 =	vld [tilespmem:s14+$0x0];
	v16 =	vmul.f32 v19, v16;
	v12 =	vadd.f32 v11, v18;
	v19 =	vadd.f32 v23, v20;
	[tilespmem:s19+$0x16180] =	vst v13  }
0x122: {  	v35 =	vld [tilespmem:s14+$0x400];
	v11 =	vsub.f32 v21, v14;
	v13 =	vadd.f32 v28, v29;
	[tilespmem:s19+$0x14180] =	vst v24  }
0x123: {  	v14 =	vadd.f32 v17, v15;
	v20 =	vld [tilespmem:s18+$0x1A900];
	[tilespmem:s7+$0x16280] =	vst v19  }
0x124: {  	v15 =	vmul.f32 v12, v27;
	v17 =	vld [tilespmem:s18+$0x1C900];
	[tilespmem:s7+$0x14280] =	vst v13;
	v13 =	vsub.f32 v22, v16;
	v16 =	vmul.f32 v26, v11  }
0x125: {  	v21 =	vld [tilespmem:s6+$0x1B100]  }
0x126: {  	v19 =	vmul.f32 v27, v14;
	v22 =	vmul.f32 v26, v13;
	v15 =	vadd.f32 v16, v15;
	v16 =	vld [tilespmem:s6+$0x1D100]  }
0x127: {  	s1 =	sadd.s32 s1, s25;
	v25 =	vld [tilespmem:s9+$0x400]  }
0x128: {  	s20 =	sor.u32 s15, s20;
	s1 =	sadd.s32 s0, s1;
	v18 =	vld [tilespmem:s9+$0x1400];
	v19 =	vadd.f32 v22, v19  }
0x129: {  	s15 =	simm.s32 $0x180;
	v23 =	vld [tilespmem:s1+$0x800];
	[tilespmem:s20+$0x16100] =	vst v15;
	v15 =	vmul.f32 v20, v5;
	v22 =	vmul.f32 v17, v6  }
0x12a: {  	s16 =	sand.u32 $0x1C00, s15;
	v20 =	vmul.f32 v20, v8;
	v17 =	vmul.f32 v17, v7;
	[tilespmem:s20+$0x14100] =	vst v19;
	v19 =	vld [tilespmem:s14+$0x1400]  }
0x12b: {  	s3 =	sshrl.u32 s16, $0x2;
	v15 =	vadd.f32 v22, v15;
	v22 =	vmul.f32 v21, v9;
	v24 =	vld [tilespmem:s21+$0x1C500];
	v26 =	vmul.f32 v16, v10  }
0x12c: {  	s3 =	sadd.s32 s3, s25;
	v17 =	vadd.f32 v17, v20;
	v20 =	vmul.f32 v21, v3;
	v27 =	vld [tilespmem:s21+$0x1A500];
	v16 =	vmul.f32 v16, v4  }
0x12d: {  	s3 =	sadd.s32 s0, s3;
	v21 =	vld [tilespmem:s9+$0x1000];
	[tilespmem:s19+$0x14200] =	vst v15;
	v15 =	vadd.f32 v26, v22  }
0x12e: {  	[tilespmem:s19+$0x16200] =	vst v17;
	v26 =	vld [tilespmem:s3+$0x0];
	v16 =	vadd.f32 v16, v20  }
0x12f: {  	s22 =	simm.s32 $0x80;
	v29 =	vmul.f32 v25, v23;
	v20 =	vld [tilespmem:s18+$0x1AD00];
	[tilespmem:s7+$0x14300] =	vst v15  }
0x130: {  	v32 =	vmul.f32 v31, v23;
	v17 =	vmul.f32 v18, v23;
	s3 =	sand.u32 $0x700, s22;
	v15 =	vld [tilespmem:s18+$0x1CD00];
	[tilespmem:s7+$0x16300] =	vst v16  }
0x131: {  	s3 =	sadd.s32 s3, s25;
	v22 =	vmul.f32 v24, v11;
	v16 =	vmul.f32 v27, v12;
	v28 =	vld [tilespmem:s6+$0x1B500]  }
0x132: {  	s9 =	simm.s32 $0xA0;
	s3 =	sadd.s32 s29, s3;
	v24 =	vmul.f32 v24, v13;
	v27 =	vmul.f32 v27, v14;
	v33 =	vld [tilespmem:s6+$0x1D500]  }
0x133: {  	s23 =	simm.s32 $0x50;
	s11 =	sand.u32 $0x700, s9;
	s22 =	sor.u32 s0, s26;
	v23 =	vmul.f32 v21, v23;
	v34 =	vld [tilespmem:s3+$0x800];
	v16 =	vadd.f32 v22, v16;
	v31 =	vmul.f32 v31, v26  }
0x134: {  	s30 =	sand.u32 $0x70, s23;
	s5 =	sadd.s32 s11, s25;
	s3 =	sand.u32 $0x380, s23;
	v22 =	vadd.f32 v24, v27;
	v24 =	vld [tilespmem:s22+$0x1C100];
	v25 =	vmul.f32 v25, v26;
	v18 =	vmul.f32 v18, v26  }
0x135: {  	s5 =	sadd.s32 s30, s5;
	s26 =	sadd.s32 s3, s24;
	v27 =	vld [tilespmem:s22+$0x1A100];
	v36 =	vmul.f32 v20, v5;
	v26 =	vmul.f32 v21, v26  }
0x136: {  	s31 =	sadd.s32 s30, s26;
	v21 =	vld [tilespmem:s5+$0x800];
	[tilespmem:s20+$0x16180] =	vst v16;
	v16 =	vmul.f32 v15, v6;
	v37 =	vmul.f32 v15, v7  }
0x137: {  	[tilespmem:s20+$0x14180] =	vst v22;
	v15 =	vadd.f32 v17, v25;
	v17 =	vmul.f32 v20, v8;
	v22 =	vld [tilespmem:s31+$0x400];
	v20 =	vmul.f32 v28, v9  }
0x138: {  	v38 =	vld [tilespmem:s21+$0x1A900];
	v59 =	vmul.f32 v33, v10;
	v33 =	vmul.f32 v33, v4;
	v25 =	vadd.f32 v16, v36  }
0x139: {  	v28 =	vmul.f32 v28, v3;
	v16 =	vsub.f32 v29, v18;
	v18 =	vadd.f32 v37, v17;
	v29 =	vld [tilespmem:s21+$0x1C900]  }
0x13a: {  	v17 =	vadd.f32 v23, v31;
	v37 =	vld [tilespmem:s14+$0x1000];
	v36 =	vadd.f32 v59, v20;
	[tilespmem:s19+$0x14280] =	vst v25  }
0x13b: {  	v20 =	vmul.f32 v19, v34;
	v28 =	vadd.f32 v33, v28;
	v25 =	vld [tilespmem:s31+$0x1400];
	[tilespmem:s19+$0x16280] =	vst v18;
	v18 =	vsub.f32 v32, v26  }
0x13c: {  	s12 =	simm.s32 $0x200;
	v26 =	vmul.f32 v15, v27;
	v31 =	vmul.f32 v24, v16;
	v39 =	vld [tilespmem:s18+$0x1B100];
	[tilespmem:s7+$0x14380] =	vst v36  }
0x13d: {  	s23 =	sor.u32 s0, s16;
	s0 =	sand.u32 $0x1C00, s12;
	v27 =	vmul.f32 v27, v17;
	v60 =	vld [tilespmem:s18+$0x1D100];
	[tilespmem:s7+$0x16380] =	vst v28;
	v32 =	vmul.f32 v24, v18  }
0x13e: {  	s13 =	sshrl.u32 s0, $0x2;
	v33 =	vmul.f32 v30, v34;
	v24 =	vmul.f32 v35, v34;
	v26 =	vadd.f32 v31, v26;
	v41 =	vld [tilespmem:s6+$0x1B900]  }
0x13f: {  	s14 =	sadd.s32 s13, s25;
	v28 =	vmul.f32 v38, v14;
	v42 =	vld [tilespmem:s6+$0x1D900];
	v31 =	vmul.f32 v29, v13;
	v27 =	vadd.f32 v32, v27  }
0x140: {  	v23 =	vld [tilespmem:s31+$0x0];
	s1 =	sadd.s32 s29, s14;
	v38 =	vmul.f32 v38, v12;
	v29 =	vmul.f32 v29, v11;
	[tilespmem:s23+$0x16100] =	vst v26  }
0x141: {  	v40 =	vld [tilespmem:s1+$0x0];
	v32 =	vmul.f32 v22, v21;
	v26 =	vmul.f32 v25, v21;
	v28 =	vadd.f32 v31, v28;
	[tilespmem:s23+$0x14100] =	vst v27  }
0x142: {  	v27 =	vadd.f32 v29, v38;
	v31 =	vmul.f32 v39, v5;
	v61 =	vmul.f32 v60, v6;
	v43 =	vld [tilespmem:s22+$0x1C500]  }
0x143: {  	v62 =	vmul.f32 v39, v8;
	[tilespmem:s20+$0x14200] =	vst v28;
	v28 =	vmul.f32 v60, v7;
	v45 =	vld [tilespmem:s22+$0x1A500]  }
0x144: {  	s26 =	sor.u32 s29, s2;
	v44 =	vmul.f32 v41, v3;
	v38 =	vadd.f32 v61, v31;
	[tilespmem:s20+$0x16200] =	vst v27;
	v27 =	vmul.f32 v42, v4  }
0x145: {  	s15 =	simm.s32 $0x280;
	v36 =	vld [tilespmem:s26+$0x1C100];
	v46 =	vmul.f32 v42, v10;
	v63 =	vmul.f32 v41, v9;
	v28 =	vadd.f32 v28, v62  }
0x146: {  	s5 =	sand.u32 $0x1C00, s15;
	v29 =	vmul.f32 v23, v21;
	v39 =	vmul.f32 v37, v34;
	v31 =	vld [tilespmem:s21+$0x1AD00];
	[tilespmem:s19+$0x14300] =	vst v38;
	v42 =	vadd.f32 v27, v44  }
0x147: {  	s16 =	sshrl.u32 s5, $0x2;
	v34 =	vld [tilespmem:s21+$0x1CD00];
	[tilespmem:s19+$0x16300] =	vst v28;
	v28 =	vadd.f32 v46, v63;
	v46 =	vmul.f32 v35, v40;
	v41 =	vmul.f32 v43, v18  }
0x148: {  	s4 =	simm.s32 $0xC0;
	s28 =	sor.u32 s30, s3;
	s1 =	sadd.s32 s16, s25;
	v43 =	vmul.f32 v43, v16;
	v44 =	vmul.f32 v45, v17;
	v27 =	vld [tilespmem:s18+$0x1B500]  }
0x149: {  	s16 =	simm.s32 $0x60;
	s2 =	sadd.s32 s30, s1;
	s1 =	simm.s32 $0x300;
	v45 =	vmul.f32 v45, v15;
	[tilespmem:s7+$0x16400] =	vst v42;
	v42 =	vmul.f32 v30, v40;
	v30 =	vld [tilespmem:s18+$0x1D500]  }
.LBB2_4:
0x14a: {  	s12 =	sand.u32 $0x70, s16;
	v38 =	vmul.f32 v19, v40  }
0x14b: {  	s11 =	sand.u32 $0x1C00, s1;
	s14 =	sand.u32 $0x380, s16;
	v47 =	vld [tilespmem:s26+$0x1A100];
	v41 =	vadd.f32 v41, v44;
	v35 =	vadd.f32 v43, v45;
	[tilespmem:s7+$0x14400] =	vst v28;
	v19 =	vmov v25;
	s3 =	smov.u32 s1  }
0x14c: {  	s13 =	sand.u32 $0x700, s4;
	s3 =	sshrl.u32 s11, $0x2;
	s15 =	sadd.s32 s14, s24;
	v25 =	vmul.f32 v34, v13;
	v28 =	vmul.f32 v34, v11;
	v34 =	vld [tilespmem:s6+$0x1BD00]  }
0x14d: {  	v37 =	vmul.f32 v37, v40;
	s9 =	sadd.s32 s13, s25;
	v40 =	vadd.f32 v20, v46;
	v46 =	vmul.f32 v31, v14;
	s3 =	sadd.s32 s3, s25;
	s13 =	sadd.s32 s12, s15;
	[tilespmem:s23+$0x16180] =	vst v35;
	v43 =	vld [tilespmem:s6+$0x1DD00]  }
0x14e: {  	v48 =	vmul.f32 v31, v12;
	s9 =	sadd.s32 s12, s9;
	s15 =	sadd.s32 $0x80, s1;
	v44 =	vsub.f32 v24, v38;
	s3 =	sadd.s32 s12, s3;
	v35 =	vld [tilespmem:s13+$0x0];
	[tilespmem:s23+$0x14180] =	vst v41;
	v31 =	vmul.f32 v27, v5  }
0x14f: {  	p0 =	sne.s32 s1, $0x1F80;
	v20 =	vmovc v26;
	s6 =	smov.u32 s18;
	s18 =	smov.u32 s21;
	v25 =	vadd.f32 v25, v46;
	v41 =	vld [tilespmem:s22+$0x1A900];
	v45 =	vmul.f32 v30, v6;
	v30 =	vmul.f32 v30, v7  }
0x150: {  	v24 =	vmovc v32;
	s21 =	smov.u32 s22;
	v28 =	vadd.f32 v28, v48;
	v46 =	vmul.f32 v36, v44;
	s22 =	smov.u32 s26;
	s26 =	smov.u32 s28;
	v38 =	vld [tilespmem:s13+$0x400];
	v26 =	vmul.f32 v40, v47  }
0x151: {  	v32 =	vld [tilespmem:s21+$0x1C900];
	[tilespmem:s20+$0x14280] =	vst v25;
	v31 =	vadd.f32 v45, v31;
	v9 =	vmul.f32 v34, v9;
	v34 =	vmul.f32 v34, v3  }
0x152: {  	v39 =	vadd.f32 v39, v42;
	v25 =	vld [tilespmem:s13+$0x1400];
	v42 =	vadd.f32 v46, v26;
	[tilespmem:s20+$0x16280] =	vst v28;
	v26 =	vmul.f32 v27, v8  }
0x153: {  	v3 =	vmovc v8;
	v10 =	vmul.f32 v43, v10;
	v4 =	vmul.f32 v43, v4;
	v8 =	vmov v12;
	v27 =	vld [tilespmem:s9+$0x800];
	[tilespmem:s19+$0x14380] =	vst v31  }
0x154: {  	v28 =	vsub.f32 v33, v37;
	v12 =	vmovc v15;
	v31 =	vmul.f32 v47, v39;
	v33 =	vld [tilespmem:s18+$0x1B100];
	v26 =	vadd.f32 v30, v26  }
0x155: {  	v15 =	vmovc v40;
	v30 =	vmul.f32 v41, v17;
	v37 =	vmul.f32 v41, v12;
	v45 =	vadd.f32 v4, v34;
	v41 =	vld [tilespmem:s18+$0x1D100]  }
0x156: {  	v34 =	vmul.f32 v36, v28;
	v9 =	vadd.f32 v10, v9;
	v36 =	vmul.f32 v32, v18;
	[tilespmem:s19+$0x16380] =	vst v26  }
0x157: {  	s28 =	sor.u32 s12, s14;
	v10 =	vmul.f32 v32, v16;
	v4 =	vmovc v7;
	v7 =	vmovc v11;
	v11 =	vmov v16;
	v16 =	vmov v44;
	v43 =	vld [tilespmem:s6+$0x1B900];
	[tilespmem:s7+$0x16480] =	vst v45  }
0x158: {  	s1 =	sor.u32 s29, s0;
	s29 =	smov.u32 s30;
	s30 =	smov.u32 s12;
	v31 =	vadd.f32 v34, v31;
	v26 =	vmul.f32 v25, v27;
	v30 =	vadd.f32 v36, v30;
	v34 =	vld [tilespmem:s6+$0x1D900];
	[tilespmem:s7+$0x14480] =	vst v9  }
0x159: {  	s0 =	smov.u32 s5;
	s5 =	smov.u32 s11;
	v32 =	vmul.f32 v38, v27;
	v36 =	vadd.f32 v10, v37;
	s7 =	smov.u32 s19;
	[tilespmem:s1+$0x16100] =	vst v42;
	v40 =	vmul.f32 v33, v14  }
0x15a: {  	v9 =	vmovc v5;
	v5 =	vmov v14;
	s19 =	smov.u32 s20;
	s20 =	smov.u32 s23;
	v42 =	vmul.f32 v35, v27;
	v37 =	vld [tilespmem:s31+$0x1000];
	[tilespmem:s1+$0x14100] =	vst v31;
	v31 =	vmul.f32 v41, v13;
	s31 =	smov.u32 s13  }
0x15b: {  	s23 =	smov.u32 s1;
	v14 =	vmovc v17;
	v17 =	vmovc v39;
	v10 =	vmov v6;
	v6 =	vmov v13;
	v44 =	vld [tilespmem:s22+$0x1C500];
	[tilespmem:s20+$0x14200] =	vst v30;
	v30 =	vmul.f32 v41, v7  }
0x15c: {  	v13 =	vmovc v18;
	v41 =	vmul.f32 v33, v8;
	v45 =	vld [tilespmem:s22+$0x1A500];
	v39 =	vadd.f32 v31, v40;
	v46 =	vmul.f32 v43, v3  }
0x15d: {  	v18 =	vmovc v28;
	v33 =	vmov v29;
	v40 =	vld [tilespmem:s2+$0x0];
	[tilespmem:s20+$0x16200] =	vst v36;
	v47 =	vmul.f32 v34, v10;
	v36 =	vmul.f32 v34, v4;
	s2 =	smov.u32 s3  }
.Ltmp1:
0x15e: {  	v29 =	vmov v42;
	v28 =	vadd.f32 v30, v41;
	v31 =	vld [tilespmem:s21+$0x1AD00];
	[tilespmem:s19+$0x14300] =	vst v39;
	(pc) =	sbr.rel @p0 .LBB2_4-.Ltmp1, $4  }
0x15f: {  	v30 =	vmul.f32 v43, v9;
	v39 =	vmul.f32 v37, v21;
	v34 =	vld [tilespmem:s21+$0x1CD00];
	v42 =	vadd.f32 v36, v46;
	v21 =	vmovc v27  }
0x160: {  	v36 =	vld [tilespmem:s26+$0x1C100];
	v41 =	vmul.f32 v44, v18;
	v43 =	vmul.f32 v44, v16;
	[tilespmem:s19+$0x16300] =	vst v28  }
0x161: {  	v28 =	vadd.f32 v47, v30;
	v44 =	vmul.f32 v45, v17;
	v45 =	vmul.f32 v45, v15;
	v27 =	vld [tilespmem:s18+$0x1B500];
	[tilespmem:s7+$0x16400] =	vst v42  }
0x162: {  	s4 =	sadd.s32 $0x20, s4;
	s16 =	sadd.s32 $0x10, s16;
	s1 =	smov.u32 s15;
	v42 =	vmul.f32 v23, v40;
	v46 =	vmul.f32 v22, v40;
	v30 =	vld [tilespmem:s18+$0x1D500];
	v23 =	vmovc v35;
	v22 =	vmov v38  }
0x163: {  	v35 =	vld [tilespmem:s26+$0x1A100]  }
0x164: {  	v38 =	vld [tilespmem:s31+$0x1000]  }
0x165: {  	v47 =	vld [tilespmem:s2+$0x0];
	_ =	sdelay $0x1  }
0x166: {  	v20 =	vadd.f32 v20, v46  }
0x167: {  	v19 =	vmul.f32 v19, v40  }
0x168: {  	v37 =	vmul.f32 v37, v40;
	v61 =	vld [tilespmem:s28+$0x1C100];
	v60 =	vmul.f32 v20, v35  }
0x169: {  	v49 =	vld [tilespmem:s28+$0x1A100];
	v19 =	vsub.f32 v24, v19;
	v48 =	vmul.f32 v38, v21;
	v23 =	vmul.f32 v23, v47  }
0x16a: {  	v24 =	vsub.f32 v33, v37;
	v22 =	vmul.f32 v22, v47;
	v62 =	vmul.f32 v25, v47  }
0x16b: {  	v21 =	vadd.f32 v39, v42;
	v63 =	vmul.f32 v38, v47;
	v42 =	vmul.f32 v36, v19  }
0x16c: {  	v47 =	vmul.f32 v36, v24;
	v25 =	vadd.f32 v26, v22;
	v26 =	vsub.f32 v32, v62  }
0x16d: {  	v35 =	vmul.f32 v35, v21;
	v22 =	vadd.f32 v48, v23;
	v23 =	vsub.f32 v29, v63  }
0x16e: {  	v48 =	vadd.f32 v42, v60;
	v50 =	vmul.f32 v25, v49;
	v51 =	vmul.f32 v61, v26  }
0x16f: {  	s24 =	sor.u32 s29, s0;
	v32 =	vadd.f32 v47, v35;
	v52 =	vmul.f32 v49, v22;
	v53 =	vmul.f32 v61, v23  }
0x170: {  	[tilespmem:s24+$0x16100] =	vst v48;
	v54 =	vadd.f32 v51, v50  }
0x171: {  	s25 =	sor.u32 s30, s5;
	[tilespmem:s24+$0x14100] =	vst v32;
	v55 =	vadd.f32 v53, v52  }
0x172: {  	v56 =	vld [tilespmem:s26+$0x1C500];
	[tilespmem:s25+$0x16100] =	vst v54  }
0x173: {  	v57 =	vld [tilespmem:s26+$0x1A500];
	[tilespmem:s25+$0x14100] =	vst v55  }
0x174: {  	v32 =	vld [tilespmem:s28+$0x1C500]  }
0x175: {  	v58 =	vld [tilespmem:s28+$0x1A500];
	_ =	sdelay $0x2  }
0x176: {  	v59 =	vadd.f32 v43, v45;
	v60 =	vmul.f32 v56, v19;
	v61 =	vmul.f32 v57, v20  }
0x177: {  	v62 =	vadd.f32 v41, v44;
	v33 =	vmul.f32 v56, v24;
	v29 =	vmul.f32 v57, v21  }
0x178: {  	[tilespmem:s23+$0x16180] =	vst v59;
	v63 =	vadd.f32 v60, v61;
	v40 =	vmul.f32 v32, v26;
	v41 =	vmul.f32 v58, v25  }
0x179: {  	[tilespmem:s23+$0x14180] =	vst v62;
	v29 =	vadd.f32 v33, v29;
	v32 =	vmul.f32 v32, v23;
	v42 =	vmul.f32 v58, v22  }
0x17a: {  	v43 =	vld [tilespmem:s22+$0x1A900];
	[tilespmem:s24+$0x16180] =	vst v63;
	v44 =	vadd.f32 v40, v41  }
0x17b: {  	v45 =	vld [tilespmem:s22+$0x1C900];
	[tilespmem:s24+$0x14180] =	vst v29;
	v46 =	vadd.f32 v32, v42  }
0x17c: {  	v47 =	vld [tilespmem:s26+$0x1A900];
	[tilespmem:s25+$0x16180] =	vst v44  }
0x17d: {  	v48 =	vld [tilespmem:s26+$0x1C900];
	[tilespmem:s25+$0x14180] =	vst v46  }
0x17e: {  	v29 =	vld [tilespmem:s28+$0x1A900]  }
0x17f: {  	v36 =	vld [tilespmem:s28+$0x1C900]  }
0x180: {  	v49 =	vmul.f32 v43, v17;
	v50 =	vmul.f32 v45, v18  }
0x181: {  	v35 =	vmul.f32 v43, v15;
	v37 =	vmul.f32 v45, v16  }
0x182: {  	v38 =	vadd.f32 v50, v49;
	v51 =	vmul.f32 v47, v21;
	v52 =	vmul.f32 v48, v24  }
0x183: {  	v35 =	vadd.f32 v37, v35;
	v32 =	vmul.f32 v47, v20;
	v33 =	vmul.f32 v48, v19  }
0x184: {  	[tilespmem:s23+$0x14200] =	vst v38;
	v53 =	vadd.f32 v52, v51;
	v54 =	vmul.f32 v29, v22;
	v55 =	vmul.f32 v36, v23  }
0x185: {  	[tilespmem:s23+$0x16200] =	vst v35;
	v32 =	vadd.f32 v33, v32;
	v29 =	vmul.f32 v29, v25;
	v56 =	vmul.f32 v36, v26  }
0x186: {  	v35 =	vld [tilespmem:s22+$0x1AD00];
	[tilespmem:s24+$0x14200] =	vst v53;
	v57 =	vadd.f32 v55, v54  }
0x187: {  	v58 =	vld [tilespmem:s22+$0x1CD00];
	[tilespmem:s24+$0x16200] =	vst v32;
	v29 =	vadd.f32 v56, v29  }
0x188: {  	v32 =	vld [tilespmem:s26+$0x1AD00];
	[tilespmem:s25+$0x14200] =	vst v57  }
0x189: {  	v59 =	vld [tilespmem:s26+$0x1CD00];
	[tilespmem:s25+$0x16200] =	vst v29  }
0x18a: {  	v63 =	vmul.f32 v34, v11;
	v44 =	vmul.f32 v31, v12;
	v62 =	vld [tilespmem:s28+$0x1AD00]  }
0x18b: {  	v60 =	vmul.f32 v34, v13;
	v61 =	vmul.f32 v31, v14;
	v45 =	vld [tilespmem:s28+$0x1CD00]  }
0x18c: {  	v46 =	vmul.f32 v58, v18;
	v31 =	vadd.f32 v63, v44;
	v47 =	vmul.f32 v35, v17  }
0x18d: {  	v48 =	vmul.f32 v58, v16;
	v35 =	vmul.f32 v35, v15;
	v29 =	vadd.f32 v60, v61  }
0x18e: {  	[tilespmem:s20+$0x16280] =	vst v31;
	v49 =	vadd.f32 v46, v47;
	v50 =	vmul.f32 v59, v24;
	v51 =	vmul.f32 v32, v21  }
0x18f: {  	v52 =	vadd.f32 v48, v35;
	[tilespmem:s20+$0x14280] =	vst v29;
	v33 =	vmul.f32 v59, v19;
	v32 =	vmul.f32 v32, v20  }
0x190: {  	[tilespmem:s23+$0x14280] =	vst v49;
	v53 =	vld [tilespmem:s21+$0x1B100];
	v54 =	vadd.f32 v50, v51;
	v55 =	vmul.f32 v45, v23;
	v56 =	vmul.f32 v62, v22  }
0x191: {  	[tilespmem:s23+$0x16280] =	vst v52;
	v57 =	vld [tilespmem:s21+$0x1D100];
	v58 =	vadd.f32 v33, v32;
	v59 =	vmul.f32 v45, v26;
	v60 =	vmul.f32 v62, v25  }
0x192: {  	v63 =	vld [tilespmem:s22+$0x1D100];
	[tilespmem:s24+$0x14280] =	vst v54;
	v62 =	vadd.f32 v55, v56  }
0x193: {  	v61 =	vld [tilespmem:s22+$0x1B100];
	[tilespmem:s24+$0x16280] =	vst v58;
	v44 =	vadd.f32 v59, v60  }
0x194: {  	v45 =	vld [tilespmem:s26+$0x1B100];
	[tilespmem:s25+$0x14280] =	vst v62  }
0x195: {  	v46 =	vld [tilespmem:s26+$0x1D100];
	[tilespmem:s25+$0x16280] =	vst v44  }
0x196: {  	v47 =	vmul.f32 v53, v14;
	v48 =	vmul.f32 v57, v13;
	v49 =	vld [tilespmem:s28+$0x1B100]  }
0x197: {  	v37 =	vmul.f32 v57, v11;
	v34 =	vmul.f32 v53, v12;
	v54 =	vld [tilespmem:s28+$0x1D100]  }
0x198: {  	v55 =	vmul.f32 v61, v17;
	v56 =	vmul.f32 v63, v18;
	v31 =	vadd.f32 v48, v47  }
0x199: {  	v35 =	vmul.f32 v63, v16;
	v57 =	vmul.f32 v61, v15;
	v34 =	vadd.f32 v37, v34  }
0x19a: {  	v58 =	vadd.f32 v56, v55;
	[tilespmem:s20+$0x14300] =	vst v31;
	v59 =	vmul.f32 v45, v21;
	v60 =	vmul.f32 v46, v24  }
0x19b: {  	v61 =	vadd.f32 v35, v57;
	[tilespmem:s20+$0x16300] =	vst v34;
	v29 =	vmul.f32 v46, v19;
	v32 =	vmul.f32 v45, v20  }
0x19c: {  	[tilespmem:s23+$0x14300] =	vst v58;
	v62 =	vld [tilespmem:s21+$0x1B500];
	v50 =	vadd.f32 v60, v59;
	v51 =	vmul.f32 v49, v22;
	v52 =	vmul.f32 v54, v23  }
0x19d: {  	[tilespmem:s23+$0x16300] =	vst v61;
	v53 =	vld [tilespmem:s21+$0x1D500];
	v29 =	vadd.f32 v29, v32;
	v54 =	vmul.f32 v54, v26;
	v55 =	vmul.f32 v49, v25  }
0x19e: {  	v56 =	vld [tilespmem:s22+$0x1B500];
	[tilespmem:s24+$0x14300] =	vst v50;
	v57 =	vadd.f32 v52, v51  }
0x19f: {  	v58 =	vld [tilespmem:s22+$0x1D500];
	[tilespmem:s24+$0x16300] =	vst v29;
	v63 =	vadd.f32 v54, v55  }
0x1a0: {  	v43 =	vmul.f32 v30, v7;
	v44 =	vmul.f32 v27, v8;
	v42 =	vld [tilespmem:s26+$0x1B500];
	[tilespmem:s25+$0x14300] =	vst v57  }
0x1a1: {  	v40 =	vmul.f32 v27, v5;
	v41 =	vmul.f32 v30, v6;
	v45 =	vld [tilespmem:s26+$0x1D500];
	[tilespmem:s25+$0x16300] =	vst v63  }
0x1a2: {  	v27 =	vadd.f32 v43, v44;
	v47 =	vmul.f32 v62, v14;
	v48 =	vmul.f32 v53, v13;
	v49 =	vld [tilespmem:s28+$0x1B500]  }
0x1a3: {  	v46 =	vadd.f32 v41, v40;
	v50 =	vmul.f32 v53, v11;
	v35 =	vmul.f32 v62, v12;
	v51 =	vld [tilespmem:s28+$0x1D500]  }
0x1a4: {  	[tilespmem:s19+$0x16380] =	vst v27;
	v60 =	vmul.f32 v56, v17;
	v61 =	vmul.f32 v58, v18;
	v59 =	vadd.f32 v48, v47  }
0x1a5: {  	[tilespmem:s19+$0x14380] =	vst v46;
	v40 =	vmul.f32 v56, v15;
	v62 =	vadd.f32 v50, v35;
	v63 =	vmul.f32 v58, v16  }
0x1a6: {  	v41 =	vld [tilespmem:s18+$0x1B900];
	v52 =	vadd.f32 v61, v60;
	[tilespmem:s20+$0x14380] =	vst v59;
	v53 =	vmul.f32 v42, v21;
	v54 =	vmul.f32 v45, v24  }
0x1a7: {  	v55 =	vld [tilespmem:s18+$0x1D900];
	[tilespmem:s20+$0x16380] =	vst v62;
	v56 =	vadd.f32 v63, v40;
	v57 =	vmul.f32 v45, v19;
	v58 =	vmul.f32 v42, v20  }
0x1a8: {  	[tilespmem:s23+$0x14380] =	vst v52;
	v59 =	vld [tilespmem:s21+$0x1B900];
	v60 =	vadd.f32 v54, v53;
	v61 =	vmul.f32 v49, v22;
	v62 =	vmul.f32 v51, v23  }
0x1a9: {  	v63 =	vld [tilespmem:s21+$0x1D900];
	[tilespmem:s23+$0x16380] =	vst v56;
	v42 =	vadd.f32 v57, v58;
	v43 =	vmul.f32 v51, v26;
	v44 =	vmul.f32 v49, v25  }
0x1aa: {  	v45 =	vld [tilespmem:s22+$0x1B900];
	[tilespmem:s24+$0x14380] =	vst v60;
	v46 =	vadd.f32 v62, v61  }
0x1ab: {  	v47 =	vld [tilespmem:s22+$0x1D900];
	[tilespmem:s24+$0x16380] =	vst v42;
	v48 =	vadd.f32 v43, v44  }
0x1ac: {  	v35 =	vmul.f32 v41, v5;
	v52 =	vmul.f32 v55, v6;
	v51 =	vld [tilespmem:s26+$0x1B900];
	[tilespmem:s25+$0x14380] =	vst v46  }
0x1ad: {  	v50 =	vmul.f32 v55, v7;
	v49 =	vmul.f32 v41, v8;
	v53 =	vld [tilespmem:s26+$0x1D900];
	[tilespmem:s25+$0x16380] =	vst v48  }
0x1ae: {  	v57 =	vadd.f32 v52, v35;
	v55 =	vmul.f32 v59, v12;
	v56 =	vmul.f32 v63, v11;
	v39 =	vld [tilespmem:s28+$0x1B900]  }
0x1af: {  	[tilespmem:s7+$0x14400] =	vst v28;
	v54 =	vadd.f32 v50, v49;
	v58 =	vmul.f32 v63, v13;
	v33 =	vmul.f32 v59, v14;
	v59 =	vld [tilespmem:s28+$0x1D900]  }
0x1b0: {  	v37 =	vld [tilespmem:s6+$0x1BD00];
	[tilespmem:s19+$0x14400] =	vst v57;
	v60 =	vadd.f32 v56, v55;
	v61 =	vmul.f32 v45, v15;
	v62 =	vmul.f32 v47, v16  }
0x1b1: {  	v63 =	vld [tilespmem:s6+$0x1DD00];
	[tilespmem:s19+$0x16400] =	vst v54;
	v41 =	vadd.f32 v58, v33;
	v42 =	vmul.f32 v47, v18;
	v43 =	vmul.f32 v45, v17  }
0x1b2: {  	v44 =	vld [tilespmem:s18+$0x1BD00];
	[tilespmem:s20+$0x16400] =	vst v60;
	v45 =	vadd.f32 v62, v61;
	v46 =	vmul.f32 v51, v20;
	v47 =	vmul.f32 v53, v19  }
0x1b3: {  	v48 =	vld [tilespmem:s18+$0x1DD00];
	[tilespmem:s20+$0x14400] =	vst v41;
	v49 =	vadd.f32 v42, v43;
	v50 =	vmul.f32 v53, v24;
	v51 =	vmul.f32 v51, v21  }
0x1b4: {  	v52 =	vld [tilespmem:s21+$0x1BD00];
	[tilespmem:s23+$0x16400] =	vst v45;
	v53 =	vadd.f32 v47, v46;
	v54 =	vmul.f32 v39, v25;
	v55 =	vmul.f32 v59, v26  }
0x1b5: {  	v56 =	vld [tilespmem:s21+$0x1DD00];
	[tilespmem:s23+$0x14400] =	vst v49;
	v57 =	vadd.f32 v50, v51;
	v58 =	vmul.f32 v59, v23;
	v59 =	vmul.f32 v39, v22  }
0x1b6: {  	v3 =	vmul.f32 v37, v3;
	v4 =	vmul.f32 v63, v4;
	v60 =	vld [tilespmem:s22+$0x1BD00];
	[tilespmem:s24+$0x16400] =	vst v53;
	v61 =	vadd.f32 v55, v54  }
0x1b7: {  	v9 =	vmul.f32 v37, v9;
	v10 =	vmul.f32 v63, v10;
	v62 =	vld [tilespmem:s22+$0x1DD00];
	[tilespmem:s24+$0x14400] =	vst v57;
	v63 =	vadd.f32 v58, v59  }
0x1b8: {  	v3 =	vadd.f32 v4, v3;
	v31 =	vmul.f32 v44, v8;
	v32 =	vmul.f32 v48, v7;
	v37 =	vld [tilespmem:s26+$0x1BD00];
	[tilespmem:s25+$0x16400] =	vst v61  }
0x1b9: {  	v9 =	vadd.f32 v10, v9;
	v39 =	vmul.f32 v44, v5;
	v40 =	vmul.f32 v48, v6;
	v41 =	vld [tilespmem:s26+$0x1DD00];
	[tilespmem:s25+$0x14400] =	vst v63  }
0x1ba: {  	[tilespmem:s7+$0x16480] =	vst v3;
	v3 =	vadd.f32 v32, v31;
	v42 =	vmul.f32 v52, v12;
	v43 =	vmul.f32 v56, v11;
	v44 =	vld [tilespmem:s28+$0x1BD00]  }
0x1bb: {  	[tilespmem:s7+$0x14480] =	vst v9;
	v5 =	vadd.f32 v40, v39;
	v45 =	vmul.f32 v52, v14;
	v46 =	vmul.f32 v56, v13;
	v47 =	vld [tilespmem:s28+$0x1DD00]  }
0x1bc: {  	[tilespmem:s19+$0x16480] =	vst v3;
	v3 =	vadd.f32 v43, v42;
	v48 =	vmul.f32 v60, v15;
	v49 =	vmul.f32 v62, v16  }
0x1bd: {  	[tilespmem:s19+$0x14480] =	vst v5;
	v50 =	vadd.f32 v46, v45;
	v51 =	vmul.f32 v60, v17;
	v52 =	vmul.f32 v62, v18  }
0x1be: {  	[tilespmem:s20+$0x16480] =	vst v3;
	v3 =	vadd.f32 v49, v48;
	v53 =	vmul.f32 v37, v20;
	v54 =	vmul.f32 v41, v19  }
0x1bf: {  	[tilespmem:s20+$0x14480] =	vst v50;
	v55 =	vadd.f32 v52, v51;
	v56 =	vmul.f32 v37, v21;
	v57 =	vmul.f32 v41, v24  }
0x1c0: {  	[tilespmem:s23+$0x16480] =	vst v3;
	v3 =	vadd.f32 v54, v53;
	v58 =	vmul.f32 v44, v25;
	v59 =	vmul.f32 v47, v26  }
0x1c1: {  	[tilespmem:s23+$0x14480] =	vst v55;
	v60 =	vadd.f32 v57, v56;
	v61 =	vmul.f32 v44, v22;
	v62 =	vmul.f32 v47, v23  }
0x1c2: {  	[tilespmem:s24+$0x16480] =	vst v3;
	v3 =	vadd.f32 v59, v58  }
0x1c3: {  	p0 =	sgt.u32 s8, $0x7;
	[tilespmem:s24+$0x14480] =	vst v60;
	v63 =	vadd.f32 v62, v61  }
0x1c4: {  	s0 =	sshll.u32 @!p0 s10, $0x7;
	[tilespmem:s25+$0x16480] =	vst v3  }
0x1c5: {  	s1 =	sadd.s32 @!p0 $0xB, s10;
	s0 =	sand.u32 @!p0 $0x3FFFFF80, s0;
	[tilespmem:s25+$0x14480] =	vst v63  }
0x1c6: {  	s3 =	simm.s32 @!p0 $0x0;
	s2 =	sadd.s32 @!p0 $0x1E100, s0;
	s5 =	rddreg [dreg:$0xf]  }
0x1c7: {  	[tilespmem:s2], [sflag:s1] =	stream.linear.gather @!p0 [hbm4b:s5+s3], $0x80, $0x38;
	[tilespmem:$0x1F100] =	vst v63  }
0x1c8: {  	s4 =	sadd.s32 @!p0 $0x1E200, s0;
	s2 =	sadd.s32 @!p0 $0x10, s5  }
0x1c9: {  	[tilespmem:s4], [sflag:s1] =	stream.linear.gather @!p0 [hbm4b:s2+s3], $0x80, $0x38;
	[tilespmem:$0x1F100] =	vst v63  }
0x1ca: {  	s2 =	sadd.s32 @!p0 $0x20, s5;
	s4 =	sadd.s32 @!p0 $0x1E300, s0  }
0x1cb: {  	[tilespmem:s4], [sflag:s1] =	stream.linear.gather @!p0 [hbm4b:s2+s3], $0x80, $0x38;
	[tilespmem:$0x1F100] =	vst v63  }
0x1cc: {  	s2 =	sadd.s32 @!p0 $0x30, s5;
	s4 =	sadd.s32 @!p0 $0x1E400, s0  }
0x1cd: {  	[tilespmem:s4], [sflag:s1] =	stream.linear.gather @!p0 [hbm4b:s2+s3], $0x80, $0x38;
	[tilespmem:$0x1F100] =	vst v63  }
0x1ce: {  	s2 =	sadd.s32 @!p0 $0x40, s5;
	s4 =	sadd.s32 @!p0 $0x1E500, s0  }
0x1cf: {  	[tilespmem:s4], [sflag:s1] =	stream.linear.gather @!p0 [hbm4b:s2+s3], $0x80, $0x38;
	[tilespmem:$0x1F100] =	vst v63  }
0x1d0: {  	s2 =	sadd.s32 @!p0 $0x50, s5;
	s4 =	sadd.s32 @!p0 $0x1E600, s0  }
0x1d1: {  	[tilespmem:s4], [sflag:s1] =	stream.linear.gather @!p0 [hbm4b:s2+s3], $0x80, $0x38;
	[tilespmem:$0x1F100] =	vst v63  }
0x1d2: {  	s2 =	sadd.s32 @!p0 $0x60, s5;
	s4 =	sadd.s32 @!p0 $0x1E700, s0  }
0x1d3: {  	[tilespmem:s4], [sflag:s1] =	stream.linear.gather @!p0 [hbm4b:s2+s3], $0x80, $0x38;
	[tilespmem:$0x1F100] =	vst v63  }
0x1d4: {  	s2 =	sadd.s32 @!p0 $0x70, s5;
	s4 =	sadd.s32 @!p0 $0x1E800, s0  }
0x1d5: {  	[tilespmem:s4], [sflag:s1] =	stream.linear.gather @!p0 [hbm4b:s2+s3], $0x80, $0x38;
	[tilespmem:$0x1F100] =	vst v63  }
0x1d6: {  	s5 =	rddreg [dreg:$0x10];
	s2 =	sadd.s32 @!p0 $0x1E900, s0  }
0x1d7: {  	[tilespmem:s2], [sflag:s1] =	stream.linear.gather @!p0 [hbm4b:s5+s3], $0x80, $0x38;
	[tilespmem:$0x1F100] =	vst v63  }
0x1d8: {  	s9 =	rddreg [dreg:$0x0];
	s4 =	sadd.s32 @!p0 $0x1EA00, s0;
	s2 =	sadd.s32 @!p0 $0x10, s5  }
0x1d9: {  	[tilespmem:s4], [sflag:s1] =	stream.linear.gather @!p0 [hbm4b:s2+s3], $0x80, $0x38;
	[tilespmem:$0x1F100] =	vst v63  }
0x1da: {  	s11 =	simm.s32 $0x0;
	s2 =	sadd.s32 @!p0 $0x20, s5;
	s4 =	sadd.s32 @!p0 $0x1EB00, s0  }
0x1db: {  	[tilespmem:s4], [sflag:s1] =	stream.linear.gather @!p0 [hbm4b:s2+s3], $0x80, $0x38;
	[tilespmem:$0x1F100] =	vst v63  }
0x1dc: {  	s12 =	rddreg [dreg:$0xc];
	s2 =	sadd.s32 @!p0 $0x30, s5;
	s4 =	sadd.s32 @!p0 $0x1EC00, s0  }
0x1dd: {  	[tilespmem:s4], [sflag:s1] =	stream.linear.gather @!p0 [hbm4b:s2+s3], $0x80, $0x38;
	[tilespmem:$0x1F100] =	vst v63  }
0x1de: {  	s13 =	rddreg [dreg:$0xd];
	s2 =	sadd.s32 @!p0 $0x40, s5;
	s4 =	sadd.s32 @!p0 $0x1ED00, s0  }
0x1df: {  	[tilespmem:s4], [sflag:s1] =	stream.linear.gather @!p0 [hbm4b:s2+s3], $0x80, $0x38;
	[tilespmem:$0x1F100] =	vst v63  }
0x1e0: {  	s14 =	rddreg [dreg:$0xe];
	s2 =	sadd.s32 @!p0 $0x50, s5;
	s4 =	sadd.s32 @!p0 $0x1EE00, s0  }
0x1e1: {  	[tilespmem:s4], [sflag:s1] =	stream.linear.gather @!p0 [hbm4b:s2+s3], $0x80, $0x38;
	[tilespmem:$0x1F100] =	vst v63  }
0x1e2: {  	s15 =	rddreg [dreg:$0x11];
	s2 =	sadd.s32 @!p0 $0x60, s5;
	s4 =	sadd.s32 @!p0 $0x1EF00, s0  }
0x1e3: {  	[tilespmem:s4], [sflag:s1] =	stream.linear.gather @!p0 [hbm4b:s2+s3], $0x80, $0x38;
	[tilespmem:$0x1F100] =	vst v63  }
0x1e4: {  	s16 =	sld [smem:$0x7FB];
	s0 =	sadd.s32 @!p0 $0x1F000, s0;
	s2 =	sadd.s32 @!p0 $0x70, s5  }
0x1e5: {  	[tilespmem:s0], [sflag:s1] =	stream.linear.gather @!p0 [hbm4b:s2+s3], $0x80, $0x38;
	[tilespmem:$0x1F100] =	vst v63  }
.LBB2_6:
0x1e6: {  	s0 =	sshrl.u32 s17, $0xA  }
0x1e7: {  	s0 =	sand.u32 $0x3F, s0  }
0x1e8: {  	s0 =	smul.u32 $0x5, s0;
	_ =	sdelay $0x1  }
0x1e9: {  	s0 =	ssub.s32 s8, s0  }
0x1ea: {  	s0 =	sand.u32 $0xFF, s0  }
0x1eb: {  	s3 =	simm.s32 $0x0;
	s4 =	simm.s32 $0x0;
	s1 =	sshll.u32 s0, $0xE  }
0x1ec: {  	s6 =	simm.s32 $0x0;
	s2 =	sadd.s32 $0x1, s0;
	s1 =	sor.u32 $0x100, s1  }
0x1ed: {  	s4 =	sand.u32 $0x2000, s4;
	s5 =	sand.u32 $0x1C00, s3;
	_ =	swait.ge [sflag:s2], $0x4000;
	v3 =	vmov s1  }
0x1ee: {  	s31 =	sand.u32 $0x380, s6;
	s4 =	sor.u32 s5, s4;
	[sflag:s2] =	ssyncset.done $0x0  }
0x1ef: {  	[sflag:s2] =	ssyncadd.s32 $0xFFFFC000;
	s2 =	sor.u32 s31, s4  }
0x1f0: {  	v11 =	vld [tilespmem:s2+$0x14170]  }
0x1f1: {  	v12 =	vld [tilespmem:s2+$0x14100]  }
0x1f2: {  	v4 =	vld.idx.msk [tilespmem:v3+s2+$0x70 ss:$0x1], $0xffff  }
0x1f3: {  	v10 =	vld.idx.msk [tilespmem:v3+s2+$0x0 ss:$0x1], $0xffff  }
0x1f4: {  	v9 =	vld.idx.msk [tilespmem:v3+s2+$0x10 ss:$0x1], $0xffff  }
0x1f5: {  	v8 =	vld.idx.msk [tilespmem:v3+s2+$0x20 ss:$0x1], $0xffff  }
0x1f6: {  	v7 =	vld.idx.msk [tilespmem:v3+s2+$0x30 ss:$0x1], $0xffff  }
0x1f7: {  	v5 =	vld.idx.msk [tilespmem:v3+s2+$0x40 ss:$0x1], $0xffff  }
0x1f8: {  	v6 =	vld.idx.msk [tilespmem:v3+s2+$0x50 ss:$0x1], $0xffff;
	v11 =	vadd.f32 v11, v4  }
0x1f9: {  	v4 =	vld.idx.msk [tilespmem:v3+s2+$0x60 ss:$0x1], $0xffff  }
0x1fa: {  	s4 =	simm.s32 $0x0;
	[tilespmem:v3+s2+$0x70 ss:$0x1] =	vst.idx.msk $0xffff, v11;
	v11 =	vld [tilespmem:s2+$0x14110]  }
.LBB2_7:
0x1fb: {  	s4 =	sadd.s32 $0x8, s4;
	v13 =	vld [tilespmem:s2+$0x14120]  }
0x1fc: {  	s3 =	sadd.s32 $0x400, s3;
	s5 =	sshll.u32 s4, $0x4;
	p0 =	slt.u32 s4, $0x3F8;
	v14 =	vld [tilespmem:s2+$0x14130]  }
0x1fd: {  	s6 =	sand.u32 $0x1C00, s3;
	s7 =	sshll.u32 s4, $0x1;
	s5 =	sand.u32 $0x2000, s5;
	v15 =	vld [tilespmem:s2+$0x14140]  }
0x1fe: {  	s5 =	sor.u32 s6, s5;
	s6 =	sand.u32 $0x380, s7;
	v10 =	vadd.f32 v12, v10;
	v12 =	vld [tilespmem:s2+$0x14150]  }
0x1ff: {  	s5 =	sor.u32 s6, s5;
	v9 =	vadd.f32 v11, v9;
	v11 =	vld [tilespmem:s2+$0x14160]  }
0x200: {  	v16 =	vld.idx.msk [tilespmem:v3+s5+$0x70 ss:$0x1], $0xffff;
	[tilespmem:v3+s2+$0x0 ss:$0x1] =	vst.idx.msk $0xffff, v10;
	v8 =	vadd.f32 v13, v8  }
0x201: {  	v13 =	vld [tilespmem:s5+$0x14170];
	[tilespmem:v3+s2+$0x10 ss:$0x1] =	vst.idx.msk $0xffff, v9;
	v7 =	vadd.f32 v14, v7  }
0x202: {  	v10 =	vld.idx.msk [tilespmem:v3+s5+$0x0 ss:$0x1], $0xffff;
	[tilespmem:v3+s2+$0x20 ss:$0x1] =	vst.idx.msk $0xffff, v8;
	v5 =	vadd.f32 v15, v5  }
0x203: {  	v9 =	vld.idx.msk [tilespmem:v3+s5+$0x10 ss:$0x1], $0xffff;
	[tilespmem:v3+s2+$0x30 ss:$0x1] =	vst.idx.msk $0xffff, v7;
	v6 =	vadd.f32 v12, v6  }
0x204: {  	v8 =	vld.idx.msk [tilespmem:v3+s5+$0x20 ss:$0x1], $0xffff;
	[tilespmem:v3+s2+$0x40 ss:$0x1] =	vst.idx.msk $0xffff, v5;
	v4 =	vadd.f32 v11, v4  }
0x205: {  	v7 =	vld.idx.msk [tilespmem:v3+s5+$0x30 ss:$0x1], $0xffff;
	[tilespmem:v3+s2+$0x50 ss:$0x1] =	vst.idx.msk $0xffff, v6  }
.Ltmp2:
0x206: {  	v5 =	vld.idx.msk [tilespmem:v3+s5+$0x40 ss:$0x1], $0xffff;
	v11 =	vadd.f32 v13, v16;
	[tilespmem:v3+s2+$0x60 ss:$0x1] =	vst.idx.msk $0xffff, v4;
	s2 =	smov.u32 s5;
	(pc) =	sbr.rel @p0 .LBB2_7-.Ltmp2, $4  }
0x207: {  	v6 =	vld.idx.msk [tilespmem:v3+s2+$0x50 ss:$0x1], $0xffff  }
0x208: {  	v4 =	vld.idx.msk [tilespmem:v3+s2+$0x60 ss:$0x1], $0xffff;
	[tilespmem:v3+s2+$0x70 ss:$0x1] =	vst.idx.msk $0xffff, v11  }
0x209: {  	v12 =	vld [tilespmem:s2+$0x14100]  }
0x20a: {  	v11 =	vld [tilespmem:s2+$0x14110]  }
0x20b: {  	v13 =	vld [tilespmem:s2+$0x14120]  }
0x20c: {  	v14 =	vld [tilespmem:s2+$0x14130]  }
0x20d: {  	v15 =	vld [tilespmem:s2+$0x14140]  }
0x20e: {  	v62 =	vld [tilespmem:s2+$0x14150];
	v10 =	vadd.f32 v12, v10  }
0x20f: {  	v63 =	vld [tilespmem:s2+$0x14160];
	v9 =	vadd.f32 v11, v9  }
0x210: {  	[tilespmem:v3+s2+$0x0 ss:$0x1] =	vst.idx.msk $0xffff, v10;
	v8 =	vadd.f32 v13, v8  }
0x211: {  	s8 =	sadd.s32 $0x1, s8;
	v7 =	vadd.f32 v14, v7;
	[tilespmem:v3+s2+$0x10 ss:$0x1] =	vst.idx.msk $0xffff, v9  }
0x212: {  	p0 =	sne.s32 s8, $0x10;
	v5 =	vadd.f32 v15, v5;
	[tilespmem:v3+s2+$0x20 ss:$0x1] =	vst.idx.msk $0xffff, v8  }
.Ltmp3:
0x213: {  	v6 =	vadd.f32 v62, v6;
	[tilespmem:v3+s2+$0x30 ss:$0x1] =	vst.idx.msk $0xffff, v7;
	(pc) =	sbr.rel @p0 .LBB2_2-.Ltmp3, $4  }
0x214: {  	s3 =	sshll.u32 s16, $0x12;
	v4 =	vadd.f32 v63, v4;
	[tilespmem:v3+s2+$0x40 ss:$0x1] =	vst.idx.msk $0xffff, v5  }
0x215: {  	s4 =	sshll.u32 s10, $0xB;
	s3 =	sadd.s32 s3, s15;
	[tilespmem:v3+s2+$0x50 ss:$0x1] =	vst.idx.msk $0xffff, v6  }
0x216: {  	s0 =	sadd.s32 $0x6, s0;
	s31 =	sadd.s32 s4, s3;
	[tilespmem:v3+s2+$0x60 ss:$0x1] =	vst.idx.msk $0xffff, v4  }
0x217: {  	[hbm4b:s31+s11] =	stream.linear.scatter [tilespmem:s1], [sflag:s0], $0x4000, $0x38;
	[tilespmem:$0x1F100] =	vst v63  }
0x218: {  	s0 =	simm.s32 $0x7  }
0x219: {  	_ =	swait.ge [sflag:s0], $0x4000  }
0x21a: {  	[sflag:s0] =	ssyncset.done $0x0  }
0x21b: {  	s28 =	simm.s32 $0x8;
	[sflag:s0] =	ssyncadd.s32 $0xFFFFC000  }
0x21c: {  	_ =	swait.ge [sflag:s28], $0x4000  }
0x21d: {  	[sflag:s28] =	ssyncset.done $0x0  }
0x21e: {  	s29 =	simm.s32 $0x9;
	[sflag:s28] =	ssyncadd.s32 $0xFFFFC000  }
0x21f: {  	_ =	swait.ge [sflag:s29], $0x4000  }
0x220: {  	[sflag:s29] =	ssyncset.done $0x0  }
0x221: {  	s30 =	simm.s32 $0xA;
	[sflag:s29] =	ssyncadd.s32 $0xFFFFC000  }
0x222: {  	_ =	swait.ge [sflag:s30], $0x4000  }
0x223: {  	[sflag:s30] =	ssyncset.done $0x0  }
0x224: {  	s1 =	simm.s32 $0x6;
	[sflag:s30] =	ssyncadd.s32 $0xFFFFC000  }
0x225: {  	_ =	swait.ge [sflag:s1], $0x4000  }
0x226: {  	s2 =	sld [smem:$0x7FC];
	_ =	sdelay $0x2  }
0x227: {  	s31 =	rddreg [dreg:$0x12];
	s2 =	sadd.s32 $0x1, s2  }
0x228: {  	p0 =	sne.s32 s2, s31  }
.Ltmp4:
0x229: {  	_ = 	snop;
	(pc) =	sbr.rel @p0 .LBB2_1-.Ltmp4, $3  }
0x22a: {  	_ =	sdelay $0x1  }
0x22b: {  	[sflag:s1] =	ssyncset.done $0x0  }
0x22c: {  	[sflag:s1] =	ssyncadd.s32 $0xFFFFC000  }
0x22d: {  	_ =	sfence.sel $0x180000  }
0x22e: {  	[bflag:$0x0] =	sbarrier.arrive $0xFFFF  }
0x22f: {  	_ =	strace $0x90000047  }
0x230: {  	s0 =	stileid.u32;
	[bflag:$0x2] =	sbarrier.arrive $0xFFFF  }
0x231: {  	p0 =	sne.s32 s0, $0x0;
	s0 =	rddreg [dreg:$0x4]  }
0x232: {  	s0 =	sadd.s32 @!p0 $0x100000, s0  }
0x233: {  	[sflag:s0] =	ssyncadd.tile.s32 @!p0 $0x1;
	_ =	shalt  }
.Lfunc_end2:
_tile_overlayer_lowered:
.L_overlay_start_2:
0x234: {  	(tag) =	ssettag $0x2  }
0x235: {  	s0 =	rddreg [dreg:$0x0];
	s2 =	stileid.u32  }
0x236: {  	s1 =	rddreg [dreg:$0x1];
	p0 =	sne.s32 s2, $0x0  }
0x237: {  	s3 =	rddreg [dreg:$0x2];
	[bflag:$0x3] =	sbarrier.arrive $0xFFFF;
	s2 =	simm.s32 @!p0 $0x1C0F  }
0x238: {  	[timem:s3], [sflag:s2] =	dma.local @!p0 [hbm:s0], s1  }
0x239: {  	s0 =	simm.s32 @!p0 $0xF  }
0x23a: {  	_ =	swait.ge @!p0 [sflag:s0], s1  }
0x23b: {  	s1 =	ssub.s32 @!p0 $0x0, s1;
	[sflag:s0] =	ssyncset.done @!p0 $0x0  }
0x23c: {  	[sflag:s0] =	ssyncadd.s32 @!p0 s1  }
0x23d: {  	[bflag:$0x3] =	sbarrier.arrive $0xFFFF  }
0x23e: {  	_ =	shalt  }

</sc_bundles>
